<compile_context>
chip_gen: v7x
topology: tpu7x:2x2x1
jax: 0.10.2.dev20260603
libtpu: 0.0.44.dev20260713+nightly
codegen_flags: <defaults>
</compile_context>

<pallas_src>
import functools

import jax
import jax.numpy as jnp
from jax import lax
from jax.experimental import pallas as pl
from jax.experimental.pallas import tpu as pltpu
from jax.experimental.pallas import tpu_sc as plsc

B = 16384
D = 64
V_PAD = 1024


def _sc_gather_body(nc, bpw,
                    emb_u_hbm, emb_s_hbm, bias_u_hbm, bias_s_hbm,
                    uid_hbm, sid_hbm,
                    xe_hbm, xb_hbm,
                    idx_u, idx_s, rows_u, rows_s, bu_v, bs_v, bsum_v,
                    sem_u, sem_s):
    wid = lax.axis_index("s") * nc + lax.axis_index("c")
    base = wid * bpw
    pltpu.sync_copy(uid_hbm.at[pl.ds(base, bpw)], idx_u)
    pltpu.sync_copy(sid_hbm.at[pl.ds(base, bpw)], idx_s)
    cp_u = pltpu.async_copy(emb_u_hbm.at[idx_u], rows_u, sem_u)
    cp_s = pltpu.async_copy(emb_s_hbm.at[idx_s], rows_s, sem_s)
    pltpu.sync_copy(bias_u_hbm, bu_v)
    pltpu.sync_copy(bias_s_hbm, bs_v)
    for i in range(bpw // 16):
        iu = idx_u[pl.ds(i * 16, 16)]
        isk = idx_s[pl.ds(i * 16, 16)]
        vb = plsc.load_gather(bu_v, [iu]) + plsc.load_gather(bs_v, [isk])
        bsum_v[pl.ds(i * 16, 16)] = vb
    pltpu.sync_copy(bsum_v, xb_hbm.at[pl.ds(base, bpw)])
    cp_u.wait()
    pltpu.sync_copy(rows_u, xe_hbm.at[pl.ds(base, bpw), pl.ds(0, D)])
    cp_s.wait()
    pltpu.sync_copy(rows_s, xe_hbm.at[pl.ds(base, bpw), pl.ds(D, D)])


@functools.cache
def _make_sc_gather():
    info = plsc.get_sparse_core_info()
    nc, ns = info.num_cores, info.num_subcores
    nw = nc * ns
    bpw = B // nw
    mesh = plsc.VectorSubcoreMesh(core_axis_name="c", subcore_axis_name="s",
                                  num_cores=nc)
    return pl.kernel(
        functools.partial(_sc_gather_body, nc, bpw),
        out_type=(
            jax.ShapeDtypeStruct((B, 2 * D), jnp.float32),
            jax.ShapeDtypeStruct((B,), jnp.float32),
        ),
        mesh=mesh,
        scratch_types=[
            pltpu.VMEM((bpw,), jnp.int32),
            pltpu.VMEM((bpw,), jnp.int32),
            pltpu.VMEM((bpw, D), jnp.float32),
            pltpu.VMEM((bpw, D), jnp.float32),
            pltpu.VMEM((V_PAD,), jnp.float32),
            pltpu.VMEM((V_PAD,), jnp.float32),
            pltpu.VMEM((bpw,), jnp.float32),
            pltpu.SemaphoreType.DMA,
            pltpu.SemaphoreType.DMA,
        ],
        compiler_params=pltpu.CompilerParams(use_tc_tiling_on_sc=False,
                                             needs_layout_passes=False,
                                             skip_device_barrier=True),
        name="sc_embed_gather",
    )


BLK = 4096


def _tc_body(uf_ref, sf_ref, wu_ref, bu_ref, ws_ref, bs_ref,
             xe_ref, xb_ref, ones_ref, out_ref):
    xfu = jnp.maximum(
        jnp.dot(uf_ref[...], wu_ref[...],
                preferred_element_type=jnp.float32) + bu_ref[...], 0.0)
    xfs = jnp.maximum(
        jnp.dot(sf_ref[...], ws_ref[...],
                preferred_element_type=jnp.float32) + bs_ref[...], 0.0)
    eu = xe_ref[:, :D] + xfu
    es = xe_ref[:, D:] + xfs
    prod = eu * es
    comb = jnp.dot(prod, ones_ref[...],
                   preferred_element_type=jnp.float32)[:, 0]
    out_ref[...] = 4.0 * jax.nn.sigmoid(xb_ref[...] + comb) + 1.0


def _tc_dense(uf, sf, wu, bu, ws, bs, xe, xb):
    nblk = B // BLK
    ones = jnp.ones((D, 1), jnp.float32)
    return pl.pallas_call(
        _tc_body,
        grid=(nblk,),
        in_specs=[
            pl.BlockSpec((BLK, uf.shape[1]), lambda i: (i, 0)),
            pl.BlockSpec((BLK, sf.shape[1]), lambda i: (i, 0)),
            pl.BlockSpec(wu.shape, lambda i: (0, 0)),
            pl.BlockSpec(bu.shape, lambda i: (0, 0)),
            pl.BlockSpec(ws.shape, lambda i: (0, 0)),
            pl.BlockSpec(bs.shape, lambda i: (0, 0)),
            pl.BlockSpec((BLK, 2 * D), lambda i: (i, 0)),
            pl.BlockSpec((BLK,), lambda i: (i,)),
            pl.BlockSpec((D, 1), lambda i: (0, 0)),
        ],
        out_specs=pl.BlockSpec((BLK,), lambda i: (i,)),
        out_shape=jax.ShapeDtypeStruct((B,), jnp.float32),
        compiler_params=pltpu.CompilerParams(
            dimension_semantics=("arbitrary",),
        ),
        name="tc_rating_dense",
    )(uf, sf, wu, bu, ws, bs, xe, xb, ones)


def kernel(user_id, sku_id, user_features, sku_features, emb_user, emb_sku,
           bias_user, bias_sku, W_user, b_user, W_sku, b_sku):
    uid = user_id[:, 0].astype(jnp.int32)
    sid = sku_id[:, 0].astype(jnp.int32)
    bu_pad = jnp.pad(bias_user[:, 0], (0, V_PAD - bias_user.shape[0]))
    bs_pad = jnp.pad(bias_sku[:, 0], (0, V_PAD - bias_sku.shape[0]))
    xe, xb = _make_sc_gather()(emb_user, emb_sku, bu_pad, bs_pad, uid, sid)
    return _tc_dense(user_features, sku_features,
                     W_user, b_user.reshape(1, D),
                     W_sku, b_sku.reshape(1, D),
                     xe, xb)

# --- scband reference (transcript-rebuilt; emitter-appended) ---
"""Pipeline reference for scband-rating-predictor-42906723287262 (READ-ONLY COPY).

The authoritative reference and input builder live on the scoring server;
editing this copy changes nothing except your own understanding.
"""

import jax, jax.numpy as jnp
import numpy as np

B = 16384
D = 64
UF = 128
SF = 128
V_USER = 1000
V_SKU = 1000
TARGET_CATEGORIES = [1, 2, 3, 4, 5]
EMBEDDING_COLUMNS = {"user": ["user_id"], "sku": ["sku_id"]}


def setup_inputs(seed: int = 0) -> dict:
    key = jax.random.key(seed)
    ks = jax.random.split(key, 12)
    return {
        "user_id": jax.random.randint(ks[0], (B, 1), 0, 990),
        "sku_id": jax.random.randint(ks[1], (B, 1), 0, 990),
        "user_features": jax.random.normal(ks[2], (B, UF), dtype=jnp.float32),
        "sku_features": jax.random.normal(ks[3], (B, SF), dtype=jnp.float32),
        "emb_user": jax.random.normal(ks[4], (V_USER, D), dtype=jnp.float32) * 0.02,
        "emb_sku": jax.random.normal(ks[5], (V_SKU, D), dtype=jnp.float32) * 0.02,
        "bias_user": jax.random.normal(ks[6], (V_USER, 1), dtype=jnp.float32) * 0.02,
        "bias_sku": jax.random.normal(ks[7], (V_SKU, 1), dtype=jnp.float32) * 0.02,
        "W_user": jax.random.normal(ks[8], (UF, D), dtype=jnp.float32) * (1.0 / np.sqrt(UF)),
        "b_user": jnp.zeros((D,), dtype=jnp.float32),
        "W_sku": jax.random.normal(ks[9], (SF, D), dtype=jnp.float32) * (1.0 / np.sqrt(SF)),
        "b_sku": jnp.zeros((D,), dtype=jnp.float32),
    }


def reference(user_id, sku_id, user_features, sku_features, emb_user, emb_sku, bias_user, bias_sku, W_user, b_user, W_sku, b_sku):
    # per-column embedding + bias lookups (squeeze dim=1 since indices are [B,1])
    xe_user = jnp.take(emb_user, user_id[:, 0], axis=0)          # [B, D]
    xb_user_col = jnp.take(bias_user, user_id[:, 0], axis=0)    # [B, 1]
    xe_sku = jnp.take(emb_sku, sku_id[:, 0], axis=0)             # [B, D]
    xb_sku_col = jnp.take(bias_sku, sku_id[:, 0], axis=0)       # [B, 1]
    # dense feature stacks: Linear + ReLU
    xf_user = jax.nn.relu(user_features @ W_user + b_user)       # [B, D]
    xf_sku = jax.nn.relu(sku_features @ W_sku + b_sku)           # [B, D]
    # sum of user-side embedding columns + user feature stack
    x_embed_user = xe_user + xf_user
    x_bias_user = xb_user_col[:, 0]                              # [B]
    x_embed_sku = xe_sku + xf_sku
    x_bias_sku = xb_sku_col[:, 0]                                # [B]
    # combine_func == 'dot'
    combined = jnp.sum(x_embed_user * x_embed_sku, axis=1)       # [B]
    with_biases = x_bias_user + x_bias_sku + combined            # [B]
    # RatingScaler: (len(TARGET_CATEGORIES)-1)*sigmoid(x) + 1
    return (len(TARGET_CATEGORIES) - 1) * jax.nn.sigmoid(with_biases) + 1.0

if __name__ == "__main__":
    import jax
    _d = setup_inputs()
    print(jax.jit(kernel)(*tuple(_d.values())))

</pallas_src>

<mosaic_0001>
#map = affine_map<(d0, d1) -> (0, 0)>
#map1 = affine_map<(d0, d1) -> (0)>
module attributes {stable_mosaic.version = 14 : i64} {
  func.func @sc_embed_gather(%arg0: i32, %arg1: i32, %arg2: memref<1000x64xf32, #tpu.memory_space<hbm>>, %arg3: memref<1000x64xf32, #tpu.memory_space<hbm>>, %arg4: memref<1024xf32, #tpu.memory_space<hbm>>, %arg5: memref<1024xf32, #tpu.memory_space<hbm>>, %arg6: memref<16384xi32, #tpu.memory_space<hbm>>, %arg7: memref<16384xi32, #tpu.memory_space<hbm>>, %arg8: memref<16384x128xf32, #tpu.memory_space<hbm>>, %arg9: memref<16384xf32, #tpu.memory_space<hbm>>, %arg10: memref<512xi32, #tpu.memory_space<vmem>>, %arg11: memref<512xi32, #tpu.memory_space<vmem>>, %arg12: memref<512x64xf32, #tpu.memory_space<vmem>>, %arg13: memref<512x64xf32, #tpu.memory_space<vmem>>, %arg14: memref<1024xf32, #tpu.memory_space<vmem>>, %arg15: memref<1024xf32, #tpu.memory_space<vmem>>, %arg16: memref<512xf32, #tpu.memory_space<vmem>>, %arg17: memref<!tpu.dma_semaphore, #tpu.memory_space<semaphore_mem>>, %arg18: memref<!tpu.dma_semaphore, #tpu.memory_space<semaphore_mem>>) attributes {dimension_semantics = [#tpu.dimension_semantics<core_parallel>, #tpu.dimension_semantics<subcore_parallel>], iteration_bounds = array<i64: 2, 16>, scalar_prefetch = 0 : i64, scratch_operands = 9 : i64, tpu.core_type = #tpu.core_type<sc_vector_subcore>, window_params = [{transform_indices = #map}, {transform_indices = #map}, {transform_indices = #map1}, {transform_indices = #map1}, {transform_indices = #map1}, {transform_indices = #map1}, {transform_indices = #map}, {transform_indices = #map1}]} {
    %mul3A = arith.constant 2 : i32
    %mul3A_0 = arith.muli %arg1, %mul3A : i32
    %add3A = arith.addi %mul3A_0, %arg0 : i32
    %mul3A_1 = arith.constant 512 : i32
    %mul3A_2 = arith.muli %add3A, %mul3A_1 : i32
    "tpu.region"() ({
      %run_scoped3A = tpu.sem_alloc : memref<!tpu.dma_semaphore, #tpu.memory_space<semaphore_mem>>
      %dma_start3A_298 = tpu.memref_slice %arg6[%mul3A_2] : memref<16384xi32, #tpu.memory_space<hbm>> -> memref<512xi32, #tpu.memory_space<hbm>>
      %dma_start3A_299 = tpu.memref_slice %arg6[%mul3A_2] : memref<16384xi32, #tpu.memory_space<hbm>> -> memref<512xi32, #tpu.memory_space<hbm>>
      tpu.enqueue_dma source(%dma_start3A_299 : memref<512xi32, #tpu.memory_space<hbm>>) target(%arg10 : memref<512xi32, #tpu.memory_space<vmem>>) target_semaphore(%run_scoped3A : memref<!tpu.dma_semaphore, #tpu.memory_space<semaphore_mem>>)
      %dma_wait3A_300 = tpu.memref_slice %arg6[%mul3A_2] : memref<16384xi32, #tpu.memory_space<hbm>> -> memref<512xi32, #tpu.memory_space<hbm>>
      %dma_wait3A_301 = tpu.memref_slice %arg6[%mul3A_2] : memref<16384xi32, #tpu.memory_space<hbm>> -> memref<512xi32, #tpu.memory_space<hbm>>
      tpu.wait_dma2 semaphore(%run_scoped3A : memref<!tpu.dma_semaphore, #tpu.memory_space<semaphore_mem>>) src(%dma_wait3A_301 : memref<512xi32, #tpu.memory_space<hbm>>) dst(%arg10 : memref<512xi32, #tpu.memory_space<vmem>>)
      tpu.yield
    }) : () -> ()
    "tpu.region"() ({
      %run_scoped3A = tpu.sem_alloc : memref<!tpu.dma_semaphore, #tpu.memory_space<semaphore_mem>>
      %dma_start3A_298 = tpu.memref_slice %arg7[%mul3A_2] : memref<16384xi32, #tpu.memory_space<hbm>> -> memref<512xi32, #tpu.memory_space<hbm>>
      %dma_start3A_299 = tpu.memref_slice %arg7[%mul3A_2] : memref<16384xi32, #tpu.memory_space<hbm>> -> memref<512xi32, #tpu.memory_space<hbm>>
      tpu.enqueue_dma source(%dma_start3A_299 : memref<512xi32, #tpu.memory_space<hbm>>) target(%arg11 : memref<512xi32, #tpu.memory_space<vmem>>) target_semaphore(%run_scoped3A : memref<!tpu.dma_semaphore, #tpu.memory_space<semaphore_mem>>)
      %dma_wait3A_300 = tpu.memref_slice %arg7[%mul3A_2] : memref<16384xi32, #tpu.memory_space<hbm>> -> memref<512xi32, #tpu.memory_space<hbm>>
      %dma_wait3A_301 = tpu.memref_slice %arg7[%mul3A_2] : memref<16384xi32, #tpu.memory_space<hbm>> -> memref<512xi32, #tpu.memory_space<hbm>>
      tpu.wait_dma2 semaphore(%run_scoped3A : memref<!tpu.dma_semaphore, #tpu.memory_space<semaphore_mem>>) src(%dma_wait3A_301 : memref<512xi32, #tpu.memory_space<hbm>>) dst(%arg11 : memref<512xi32, #tpu.memory_space<vmem>>)
      tpu.yield
    }) : () -> ()
    %dma_start3A = arith.constant 0 : i32
    %dma_start3A_3 = arith.constant 0 : i32
    %dma_start3A_4 = tpu.memref_slice %arg2[%dma_start3A, %dma_start3A_3] : memref<1000x64xf32, #tpu.memory_space<hbm>> -> memref<1000x64xf32, #tpu.memory_space<hbm>>
    tpu.enqueue_indirect_dma source(%dma_start3A_4 : memref<1000x64xf32, #tpu.memory_space<hbm>>) target(%arg12 : memref<512x64xf32, #tpu.memory_space<vmem>>) offsets(%arg10 : memref<512xi32, #tpu.memory_space<vmem>>) semaphore(%arg17 : memref<!tpu.dma_semaphore, #tpu.memory_space<semaphore_mem>>)
    %dma_start3A_5 = arith.constant 0 : i32
    %dma_start3A_6 = arith.constant 0 : i32
    %dma_start3A_7 = tpu.memref_slice %arg3[%dma_start3A_5, %dma_start3A_6] : memref<1000x64xf32, #tpu.memory_space<hbm>> -> memref<1000x64xf32, #tpu.memory_space<hbm>>
    tpu.enqueue_indirect_dma source(%dma_start3A_7 : memref<1000x64xf32, #tpu.memory_space<hbm>>) target(%arg13 : memref<512x64xf32, #tpu.memory_space<vmem>>) offsets(%arg11 : memref<512xi32, #tpu.memory_space<vmem>>) semaphore(%arg18 : memref<!tpu.dma_semaphore, #tpu.memory_space<semaphore_mem>>)
    "tpu.region"() ({
      %run_scoped3A = tpu.sem_alloc : memref<!tpu.dma_semaphore, #tpu.memory_space<semaphore_mem>>
      tpu.enqueue_dma source(%arg4 : memref<1024xf32, #tpu.memory_space<hbm>>) target(%arg14 : memref<1024xf32, #tpu.memory_space<vmem>>) target_semaphore(%run_scoped3A : memref<!tpu.dma_semaphore, #tpu.memory_space<semaphore_mem>>)
      tpu.wait_dma2 semaphore(%run_scoped3A : memref<!tpu.dma_semaphore, #tpu.memory_space<semaphore_mem>>) src(%arg4 : memref<1024xf32, #tpu.memory_space<hbm>>) dst(%arg14 : memref<1024xf32, #tpu.memory_space<vmem>>)
      tpu.yield
    }) : () -> ()
    "tpu.region"() ({
      %run_scoped3A = tpu.sem_alloc : memref<!tpu.dma_semaphore, #tpu.memory_space<semaphore_mem>>
      tpu.enqueue_dma source(%arg5 : memref<1024xf32, #tpu.memory_space<hbm>>) target(%arg15 : memref<1024xf32, #tpu.memory_space<vmem>>) target_semaphore(%run_scoped3A : memref<!tpu.dma_semaphore, #tpu.memory_space<semaphore_mem>>)
      tpu.wait_dma2 semaphore(%run_scoped3A : memref<!tpu.dma_semaphore, #tpu.memory_space<semaphore_mem>>) src(%arg5 : memref<1024xf32, #tpu.memory_space<hbm>>) dst(%arg15 : memref<1024xf32, #tpu.memory_space<vmem>>)
      tpu.yield
    }) : () -> ()
    %get3A = arith.constant 0 : index
    %get3A_8 = tpu.vector_load %arg10[%get3A] {strides = array<i32>} : memref<512xi32, #tpu.memory_space<vmem>>, vector<16xi32>,
    %get3A_9 = arith.constant 0 : index
    %get3A_10 = tpu.vector_load %arg11[%get3A_9] {strides = array<i32>} : memref<512xi32, #tpu.memory_space<vmem>>, vector<16xi32>,
    %gather3A = tpu.vector_load_idx %arg14[%get3A_8] : memref<1024xf32, #tpu.memory_space<vmem>>[vector<16xi32>], vector<16xf32>,
    %gather3A_11 = tpu.vector_load_idx %arg15[%get3A_10] : memref<1024xf32, #tpu.memory_space<vmem>>[vector<16xi32>], vector<16xf32>,
    %add3A_12 = arith.addf %gather3A, %gather3A_11 : vector<16xf32>
    %swap3A = arith.constant 0 : index
    %swap3A_13 = tpu.vector_load %arg16[%swap3A] {strides = array<i32>} : memref<512xf32, #tpu.memory_space<vmem>>, vector<16xf32>,
    tpu.vector_store %arg16[%swap3A], %add3A_12 {strides = array<i32>} : memref<512xf32, #tpu.memory_space<vmem>>, vector<16xf32>,
    %get3A_14 = arith.constant 16 : index
    %get3A_15 = tpu.vector_load %arg10[%get3A_14] {strides = array<i32>} : memref<512xi32, #tpu.memory_space<vmem>>, vector<16xi32>,
    %get3A_16 = arith.constant 16 : index
    %get3A_17 = tpu.vector_load %arg11[%get3A_16] {strides = array<i32>} : memref<512xi32, #tpu.memory_space<vmem>>, vector<16xi32>,
    %gather3A_18 = tpu.vector_load_idx %arg14[%get3A_15] : memref<1024xf32, #tpu.memory_space<vmem>>[vector<16xi32>], vector<16xf32>,
    %gather3A_19 = tpu.vector_load_idx %arg15[%get3A_17] : memref<1024xf32, #tpu.memory_space<vmem>>[vector<16xi32>], vector<16xf32>,
    %add3A_20 = arith.addf %gather3A_18, %gather3A_19 : vector<16xf32>
    %swap3A_21 = arith.constant 16 : index
    %swap3A_22 = tpu.vector_load %arg16[%swap3A_21] {strides = array<i32>} : memref<512xf32, #tpu.memory_space<vmem>>, vector<16xf32>,
    tpu.vector_store %arg16[%swap3A_21], %add3A_20 {strides = array<i32>} : memref<512xf32, #tpu.memory_space<vmem>>, vector<16xf32>,
    %get3A_23 = arith.constant 32 : index
    %get3A_24 = tpu.vector_load %arg10[%get3A_23] {strides = array<i32>} : memref<512xi32, #tpu.memory_space<vmem>>, vector<16xi32>,
    %get3A_25 = arith.constant 32 : index
    %get3A_26 = tpu.vector_load %arg11[%get3A_25] {strides = array<i32>} : memref<512xi32, #tpu.memory_space<vmem>>, vector<16xi32>,
    %gather3A_27 = tpu.vector_load_idx %arg14[%get3A_24] : memref<1024xf32, #tpu.memory_space<vmem>>[vector<16xi32>], vector<16xf32>,
    %gather3A_28 = tpu.vector_load_idx %arg15[%get3A_26] : memref<1024xf32, #tpu.memory_space<vmem>>[vector<16xi32>], vector<16xf32>,
    %add3A_29 = arith.addf %gather3A_27, %gather3A_28 : vector<16xf32>
    %swap3A_30 = arith.constant 32 : index
    %swap3A_31 = tpu.vector_load %arg16[%swap3A_30] {strides = array<i32>} : memref<512xf32, #tpu.memory_space<vmem>>, vector<16xf32>,
    tpu.vector_store %arg16[%swap3A_30], %add3A_29 {strides = array<i32>} : memref<512xf32, #tpu.memory_space<vmem>>, vector<16xf32>,
    %get3A_32 = arith.constant 48 : index
    %get3A_33 = tpu.vector_load %arg10[%get3A_32] {strides = array<i32>} : memref<512xi32, #tpu.memory_space<vmem>>, vector<16xi32>,
    %get3A_34 = arith.constant 48 : index
    %get3A_35 = tpu.vector_load %arg11[%get3A_34] {strides = array<i32>} : memref<512xi32, #tpu.memory_space<vmem>>, vector<16xi32>,
    %gather3A_36 = tpu.vector_load_idx %arg14[%get3A_33] : memref<1024xf32, #tpu.memory_space<vmem>>[vector<16xi32>], vector<16xf32>,
    %gather3A_37 = tpu.vector_load_idx %arg15[%get3A_35] : memref<1024xf32, #tpu.memory_space<vmem>>[vector<16xi32>], vector<16xf32>,
    %add3A_38 = arith.addf %gather3A_36, %gather3A_37 : vector<16xf32>
    %swap3A_39 = arith.constant 48 : index
    %swap3A_40 = tpu.vector_load %arg16[%swap3A_39] {strides = array<i32>} : memref<512xf32, #tpu.memory_space<vmem>>, vector<16xf32>,
    tpu.vector_store %arg16[%swap3A_39], %add3A_38 {strides = array<i32>} : memref<512xf32, #tpu.memory_space<vmem>>, vector<16xf32>,
    %get3A_41 = arith.constant 64 : index
    %get3A_42 = tpu.vector_load %arg10[%get3A_41] {strides = array<i32>} : memref<512xi32, #tpu.memory_space<vmem>>, vector<16xi32>,
    %get3A_43 = arith.constant 64 : index
    %get3A_44 = tpu.vector_load %arg11[%get3A_43] {strides = array<i32>} : memref<512xi32, #tpu.memory_space<vmem>>, vector<16xi32>,
    %gather3A_45 = tpu.vector_load_idx %arg14[%get3A_42] : memref<1024xf32, #tpu.memory_space<vmem>>[vector<16xi32>], vector<16xf32>,
    %gather3A_46 = tpu.vector_load_idx %arg15[%get3A_44] : memref<1024xf32, #tpu.memory_space<vmem>>[vector<16xi32>], vector<16xf32>,
    %add3A_47 = arith.addf %gather3A_45, %gather3A_46 : vector<16xf32>
    %swap3A_48 = arith.constant 64 : index
    %swap3A_49 = tpu.vector_load %arg16[%swap3A_48] {strides = array<i32>} : memref<512xf32, #tpu.memory_space<vmem>>, vector<16xf32>,
    tpu.vector_store %arg16[%swap3A_48], %add3A_47 {strides = array<i32>} : memref<512xf32, #tpu.memory_space<vmem>>, vector<16xf32>,
    %get3A_50 = arith.constant 80 : index
    %get3A_51 = tpu.vector_load %arg10[%get3A_50] {strides = array<i32>} : memref<512xi32, #tpu.memory_space<vmem>>, vector<16xi32>,
    %get3A_52 = arith.constant 80 : index
    %get3A_53 = tpu.vector_load %arg11[%get3A_52] {strides = array<i32>} : memref<512xi32, #tpu.memory_space<vmem>>, vector<16xi32>,
    %gather3A_54 = tpu.vector_load_idx %arg14[%get3A_51] : memref<1024xf32, #tpu.memory_space<vmem>>[vector<16xi32>], vector<16xf32>,
    %gather3A_55 = tpu.vector_load_idx %arg15[%get3A_53] : memref<1024xf32, #tpu.memory_space<vmem>>[vector<16xi32>], vector<16xf32>,
    %add3A_56 = arith.addf %gather3A_54, %gather3A_55 : vector<16xf32>
    %swap3A_57 = arith.constant 80 : index
    %swap3A_58 = tpu.vector_load %arg16[%swap3A_57] {strides = array<i32>} : memref<512xf32, #tpu.memory_space<vmem>>, vector<16xf32>,
    tpu.vector_store %arg16[%swap3A_57], %add3A_56 {strides = array<i32>} : memref<512xf32, #tpu.memory_space<vmem>>, vector<16xf32>,
    %get3A_59 = arith.constant 96 : index
    %get3A_60 = tpu.vector_load %arg10[%get3A_59] {strides = array<i32>} : memref<512xi32, #tpu.memory_space<vmem>>, vector<16xi32>,
    %get3A_61 = arith.constant 96 : index
    %get3A_62 = tpu.vector_load %arg11[%get3A_61] {strides = array<i32>} : memref<512xi32, #tpu.memory_space<vmem>>, vector<16xi32>,
    %gather3A_63 = tpu.vector_load_idx %arg14[%get3A_60] : memref<1024xf32, #tpu.memory_space<vmem>>[vector<16xi32>], vector<16xf32>,
    %gather3A_64 = tpu.vector_load_idx %arg15[%get3A_62] : memref<1024xf32, #tpu.memory_space<vmem>>[vector<16xi32>], vector<16xf32>,
    %add3A_65 = arith.addf %gather3A_63, %gather3A_64 : vector<16xf32>
    %swap3A_66 = arith.constant 96 : index
    %swap3A_67 = tpu.vector_load %arg16[%swap3A_66] {strides = array<i32>} : memref<512xf32, #tpu.memory_space<vmem>>, vector<16xf32>,
    tpu.vector_store %arg16[%swap3A_66], %add3A_65 {strides = array<i32>} : memref<512xf32, #tpu.memory_space<vmem>>, vector<16xf32>,
    %get3A_68 = arith.constant 112 : index
    %get3A_69 = tpu.vector_load %arg10[%get3A_68] {strides = array<i32>} : memref<512xi32, #tpu.memory_space<vmem>>, vector<16xi32>,
    %get3A_70 = arith.constant 112 : index
    %get3A_71 = tpu.vector_load %arg11[%get3A_70] {strides = array<i32>} : memref<512xi32, #tpu.memory_space<vmem>>, vector<16xi32>,
    %gather3A_72 = tpu.vector_load_idx %arg14[%get3A_69] : memref<1024xf32, #tpu.memory_space<vmem>>[vector<16xi32>], vector<16xf32>,
    %gather3A_73 = tpu.vector_load_idx %arg15[%get3A_71] : memref<1024xf32, #tpu.memory_space<vmem>>[vector<16xi32>], vector<16xf32>,
    %add3A_74 = arith.addf %gather3A_72, %gather3A_73 : vector<16xf32>
    %swap3A_75 = arith.constant 112 : index
    %swap3A_76 = tpu.vector_load %arg16[%swap3A_75] {strides = array<i32>} : memref<512xf32, #tpu.memory_space<vmem>>, vector<16xf32>,
    tpu.vector_store %arg16[%swap3A_75], %add3A_74 {strides = array<i32>} : memref<512xf32, #tpu.memory_space<vmem>>, vector<16xf32>,
    %get3A_77 = arith.constant 128 : index
    %get3A_78 = tpu.vector_load %arg10[%get3A_77] {strides = array<i32>} : memref<512xi32, #tpu.memory_space<vmem>>, vector<16xi32>,
    %get3A_79 = arith.constant 128 : index
    %get3A_80 = tpu.vector_load %arg11[%get3A_79] {strides = array<i32>} : memref<512xi32, #tpu.memory_space<vmem>>, vector<16xi32>,
    %gather3A_81 = tpu.vector_load_idx %arg14[%get3A_78] : memref<1024xf32, #tpu.memory_space<vmem>>[vector<16xi32>], vector<16xf32>,
    %gather3A_82 = tpu.vector_load_idx %arg15[%get3A_80] : memref<1024xf32, #tpu.memory_space<vmem>>[vector<16xi32>], vector<16xf32>,
    %add3A_83 = arith.addf %gather3A_81, %gather3A_82 : vector<16xf32>
    %swap3A_84 = arith.constant 128 : index
    %swap3A_85 = tpu.vector_load %arg16[%swap3A_84] {strides = array<i32>} : memref<512xf32, #tpu.memory_space<vmem>>, vector<16xf32>,
    tpu.vector_store %arg16[%swap3A_84], %add3A_83 {strides = array<i32>} : memref<512xf32, #tpu.memory_space<vmem>>, vector<16xf32>,
    %get3A_86 = arith.constant 144 : index
    %get3A_87 = tpu.vector_load %arg10[%get3A_86] {strides = array<i32>} : memref<512xi32, #tpu.memory_space<vmem>>, vector<16xi32>,
    %get3A_88 = arith.constant 144 : index
    %get3A_89 = tpu.vector_load %arg11[%get3A_88] {strides = array<i32>} : memref<512xi32, #tpu.memory_space<vmem>>, vector<16xi32>,
    %gather3A_90 = tpu.vector_load_idx %arg14[%get3A_87] : memref<1024xf32, #tpu.memory_space<vmem>>[vector<16xi32>], vector<16xf32>,
    %gather3A_91 = tpu.vector_load_idx %arg15[%get3A_89] : memref<1024xf32, #tpu.memory_space<vmem>>[vector<16xi32>], vector<16xf32>,
    %add3A_92 = arith.addf %gather3A_90, %gather3A_91 : vector<16xf32>
    %swap3A_93 = arith.constant 144 : index
    %swap3A_94 = tpu.vector_load %arg16[%swap3A_93] {strides = array<i32>} : memref<512xf32, #tpu.memory_space<vmem>>, vector<16xf32>,
    tpu.vector_store %arg16[%swap3A_93], %add3A_92 {strides = array<i32>} : memref<512xf32, #tpu.memory_space<vmem>>, vector<16xf32>,
    %get3A_95 = arith.constant 160 : index
    %get3A_96 = tpu.vector_load %arg10[%get3A_95] {strides = array<i32>} : memref<512xi32, #tpu.memory_space<vmem>>, vector<16xi32>,
    %get3A_97 = arith.constant 160 : index
    %get3A_98 = tpu.vector_load %arg11[%get3A_97] {strides = array<i32>} : memref<512xi32, #tpu.memory_space<vmem>>, vector<16xi32>,
    %gather3A_99 = tpu.vector_load_idx %arg14[%get3A_96] : memref<1024xf32, #tpu.memory_space<vmem>>[vector<16xi32>], vector<16xf32>,
    %gather3A_100 = tpu.vector_load_idx %arg15[%get3A_98] : memref<1024xf32, #tpu.memory_space<vmem>>[vector<16xi32>], vector<16xf32>,
    %add3A_101 = arith.addf %gather3A_99, %gather3A_100 : vector<16xf32>
    %swap3A_102 = arith.constant 160 : index
    %swap3A_103 = tpu.vector_load %arg16[%swap3A_102] {strides = array<i32>} : memref<512xf32, #tpu.memory_space<vmem>>, vector<16xf32>,
    tpu.vector_store %arg16[%swap3A_102], %add3A_101 {strides = array<i32>} : memref<512xf32, #tpu.memory_space<vmem>>, vector<16xf32>,
    %get3A_104 = arith.constant 176 : index
    %get3A_105 = tpu.vector_load %arg10[%get3A_104] {strides = array<i32>} : memref<512xi32, #tpu.memory_space<vmem>>, vector<16xi32>,
    %get3A_106 = arith.constant 176 : index
    %get3A_107 = tpu.vector_load %arg11[%get3A_106] {strides = array<i32>} : memref<512xi32, #tpu.memory_space<vmem>>, vector<16xi32>,
    %gather3A_108 = tpu.vector_load_idx %arg14[%get3A_105] : memref<1024xf32, #tpu.memory_space<vmem>>[vector<16xi32>], vector<16xf32>,
    %gather3A_109 = tpu.vector_load_idx %arg15[%get3A_107] : memref<1024xf32, #tpu.memory_space<vmem>>[vector<16xi32>], vector<16xf32>,
    %add3A_110 = arith.addf %gather3A_108, %gather3A_109 : vector<16xf32>
    %swap3A_111 = arith.constant 176 : index
    %swap3A_112 = tpu.vector_load %arg16[%swap3A_111] {strides = array<i32>} : memref<512xf32, #tpu.memory_space<vmem>>, vector<16xf32>,
    tpu.vector_store %arg16[%swap3A_111], %add3A_110 {strides = array<i32>} : memref<512xf32, #tpu.memory_space<vmem>>, vector<16xf32>,
    %get3A_113 = arith.constant 192 : index
    %get3A_114 = tpu.vector_load %arg10[%get3A_113] {strides = array<i32>} : memref<512xi32, #tpu.memory_space<vmem>>, vector<16xi32>,
    %get3A_115 = arith.constant 192 : index
    %get3A_116 = tpu.vector_load %arg11[%get3A_115] {strides = array<i32>} : memref<512xi32, #tpu.memory_space<vmem>>, vector<16xi32>,
    %gather3A_117 = tpu.vector_load_idx %arg14[%get3A_114] : memref<1024xf32, #tpu.memory_space<vmem>>[vector<16xi32>], vector<16xf32>,
    %gather3A_118 = tpu.vector_load_idx %arg15[%get3A_116] : memref<1024xf32, #tpu.memory_space<vmem>>[vector<16xi32>], vector<16xf32>,
    %add3A_119 = arith.addf %gather3A_117, %gather3A_118 : vector<16xf32>
    %swap3A_120 = arith.constant 192 : index
    %swap3A_121 = tpu.vector_load %arg16[%swap3A_120] {strides = array<i32>} : memref<512xf32, #tpu.memory_space<vmem>>, vector<16xf32>,
    tpu.vector_store %arg16[%swap3A_120], %add3A_119 {strides = array<i32>} : memref<512xf32, #tpu.memory_space<vmem>>, vector<16xf32>,
    %get3A_122 = arith.constant 208 : index
    %get3A_123 = tpu.vector_load %arg10[%get3A_122] {strides = array<i32>} : memref<512xi32, #tpu.memory_space<vmem>>, vector<16xi32>,
    %get3A_124 = arith.constant 208 : index
    %get3A_125 = tpu.vector_load %arg11[%get3A_124] {strides = array<i32>} : memref<512xi32, #tpu.memory_space<vmem>>, vector<16xi32>,
    %gather3A_126 = tpu.vector_load_idx %arg14[%get3A_123] : memref<1024xf32, #tpu.memory_space<vmem>>[vector<16xi32>], vector<16xf32>,
    %gather3A_127 = tpu.vector_load_idx %arg15[%get3A_125] : memref<1024xf32, #tpu.memory_space<vmem>>[vector<16xi32>], vector<16xf32>,
    %add3A_128 = arith.addf %gather3A_126, %gather3A_127 : vector<16xf32>
    %swap3A_129 = arith.constant 208 : index
    %swap3A_130 = tpu.vector_load %arg16[%swap3A_129] {strides = array<i32>} : memref<512xf32, #tpu.memory_space<vmem>>, vector<16xf32>,
    tpu.vector_store %arg16[%swap3A_129], %add3A_128 {strides = array<i32>} : memref<512xf32, #tpu.memory_space<vmem>>, vector<16xf32>,
    %get3A_131 = arith.constant 224 : index
    %get3A_132 = tpu.vector_load %arg10[%get3A_131] {strides = array<i32>} : memref<512xi32, #tpu.memory_space<vmem>>, vector<16xi32>,
    %get3A_133 = arith.constant 224 : index
    %get3A_134 = tpu.vector_load %arg11[%get3A_133] {strides = array<i32>} : memref<512xi32, #tpu.memory_space<vmem>>, vector<16xi32>,
    %gather3A_135 = tpu.vector_load_idx %arg14[%get3A_132] : memref<1024xf32, #tpu.memory_space<vmem>>[vector<16xi32>], vector<16xf32>,
    %gather3A_136 = tpu.vector_load_idx %arg15[%get3A_134] : memref<1024xf32, #tpu.memory_space<vmem>>[vector<16xi32>], vector<16xf32>,
    %add3A_137 = arith.addf %gather3A_135, %gather3A_136 : vector<16xf32>
    %swap3A_138 = arith.constant 224 : index
    %swap3A_139 = tpu.vector_load %arg16[%swap3A_138] {strides = array<i32>} : memref<512xf32, #tpu.memory_space<vmem>>, vector<16xf32>,
    tpu.vector_store %arg16[%swap3A_138], %add3A_137 {strides = array<i32>} : memref<512xf32, #tpu.memory_space<vmem>>, vector<16xf32>,
    %get3A_140 = arith.constant 240 : index
    %get3A_141 = tpu.vector_load %arg10[%get3A_140] {strides = array<i32>} : memref<512xi32, #tpu.memory_space<vmem>>, vector<16xi32>,
    %get3A_142 = arith.constant 240 : index
    %get3A_143 = tpu.vector_load %arg11[%get3A_142] {strides = array<i32>} : memref<512xi32, #tpu.memory_space<vmem>>, vector<16xi32>,
    %gather3A_144 = tpu.vector_load_idx %arg14[%get3A_141] : memref<1024xf32, #tpu.memory_space<vmem>>[vector<16xi32>], vector<16xf32>,
    %gather3A_145 = tpu.vector_load_idx %arg15[%get3A_143] : memref<1024xf32, #tpu.memory_space<vmem>>[vector<16xi32>], vector<16xf32>,
    %add3A_146 = arith.addf %gather3A_144, %gather3A_145 : vector<16xf32>
    %swap3A_147 = arith.constant 240 : index
    %swap3A_148 = tpu.vector_load %arg16[%swap3A_147] {strides = array<i32>} : memref<512xf32, #tpu.memory_space<vmem>>, vector<16xf32>,
    tpu.vector_store %arg16[%swap3A_147], %add3A_146 {strides = array<i32>} : memref<512xf32, #tpu.memory_space<vmem>>, vector<16xf32>,
    %get3A_149 = arith.constant 256 : index
    %get3A_150 = tpu.vector_load %arg10[%get3A_149] {strides = array<i32>} : memref<512xi32, #tpu.memory_space<vmem>>, vector<16xi32>,
    %get3A_151 = arith.constant 256 : index
    %get3A_152 = tpu.vector_load %arg11[%get3A_151] {strides = array<i32>} : memref<512xi32, #tpu.memory_space<vmem>>, vector<16xi32>,
    %gather3A_153 = tpu.vector_load_idx %arg14[%get3A_150] : memref<1024xf32, #tpu.memory_space<vmem>>[vector<16xi32>], vector<16xf32>,
    %gather3A_154 = tpu.vector_load_idx %arg15[%get3A_152] : memref<1024xf32, #tpu.memory_space<vmem>>[vector<16xi32>], vector<16xf32>,
    %add3A_155 = arith.addf %gather3A_153, %gather3A_154 : vector<16xf32>
    %swap3A_156 = arith.constant 256 : index
    %swap3A_157 = tpu.vector_load %arg16[%swap3A_156] {strides = array<i32>} : memref<512xf32, #tpu.memory_space<vmem>>, vector<16xf32>,
    tpu.vector_store %arg16[%swap3A_156], %add3A_155 {strides = array<i32>} : memref<512xf32, #tpu.memory_space<vmem>>, vector<16xf32>,
    %get3A_158 = arith.constant 272 : index
    %get3A_159 = tpu.vector_load %arg10[%get3A_158] {strides = array<i32>} : memref<512xi32, #tpu.memory_space<vmem>>, vector<16xi32>,
    %get3A_160 = arith.constant 272 : index
    %get3A_161 = tpu.vector_load %arg11[%get3A_160] {strides = array<i32>} : memref<512xi32, #tpu.memory_space<vmem>>, vector<16xi32>,
    %gather3A_162 = tpu.vector_load_idx %arg14[%get3A_159] : memref<1024xf32, #tpu.memory_space<vmem>>[vector<16xi32>], vector<16xf32>,
    %gather3A_163 = tpu.vector_load_idx %arg15[%get3A_161] : memref<1024xf32, #tpu.memory_space<vmem>>[vector<16xi32>], vector<16xf32>,
    %add3A_164 = arith.addf %gather3A_162, %gather3A_163 : vector<16xf32>
    %swap3A_165 = arith.constant 272 : index
    %swap3A_166 = tpu.vector_load %arg16[%swap3A_165] {strides = array<i32>} : memref<512xf32, #tpu.memory_space<vmem>>, vector<16xf32>,
    tpu.vector_store %arg16[%swap3A_165], %add3A_164 {strides = array<i32>} : memref<512xf32, #tpu.memory_space<vmem>>, vector<16xf32>,
    %get3A_167 = arith.constant 288 : index
    %get3A_168 = tpu.vector_load %arg10[%get3A_167] {strides = array<i32>} : memref<512xi32, #tpu.memory_space<vmem>>, vector<16xi32>,
    %get3A_169 = arith.constant 288 : index
    %get3A_170 = tpu.vector_load %arg11[%get3A_169] {strides = array<i32>} : memref<512xi32, #tpu.memory_space<vmem>>, vector<16xi32>,
    %gather3A_171 = tpu.vector_load_idx %arg14[%get3A_168] : memref<1024xf32, #tpu.memory_space<vmem>>[vector<16xi32>], vector<16xf32>,
    %gather3A_172 = tpu.vector_load_idx %arg15[%get3A_170] : memref<1024xf32, #tpu.memory_space<vmem>>[vector<16xi32>], vector<16xf32>,
    %add3A_173 = arith.addf %gather3A_171, %gather3A_172 : vector<16xf32>
    %swap3A_174 = arith.constant 288 : index
    %swap3A_175 = tpu.vector_load %arg16[%swap3A_174] {strides = array<i32>} : memref<512xf32, #tpu.memory_space<vmem>>, vector<16xf32>,
    tpu.vector_store %arg16[%swap3A_174], %add3A_173 {strides = array<i32>} : memref<512xf32, #tpu.memory_space<vmem>>, vector<16xf32>,
    %get3A_176 = arith.constant 304 : index
    %get3A_177 = tpu.vector_load %arg10[%get3A_176] {strides = array<i32>} : memref<512xi32, #tpu.memory_space<vmem>>, vector<16xi32>,
    %get3A_178 = arith.constant 304 : index
    %get3A_179 = tpu.vector_load %arg11[%get3A_178] {strides = array<i32>} : memref<512xi32, #tpu.memory_space<vmem>>, vector<16xi32>,
    %gather3A_180 = tpu.vector_load_idx %arg14[%get3A_177] : memref<1024xf32, #tpu.memory_space<vmem>>[vector<16xi32>], vector<16xf32>,
    %gather3A_181 = tpu.vector_load_idx %arg15[%get3A_179] : memref<1024xf32, #tpu.memory_space<vmem>>[vector<16xi32>], vector<16xf32>,
    %add3A_182 = arith.addf %gather3A_180, %gather3A_181 : vector<16xf32>
    %swap3A_183 = arith.constant 304 : index
    %swap3A_184 = tpu.vector_load %arg16[%swap3A_183] {strides = array<i32>} : memref<512xf32, #tpu.memory_space<vmem>>, vector<16xf32>,
    tpu.vector_store %arg16[%swap3A_183], %add3A_182 {strides = array<i32>} : memref<512xf32, #tpu.memory_space<vmem>>, vector<16xf32>,
    %get3A_185 = arith.constant 320 : index
    %get3A_186 = tpu.vector_load %arg10[%get3A_185] {strides = array<i32>} : memref<512xi32, #tpu.memory_space<vmem>>, vector<16xi32>,
    %get3A_187 = arith.constant 320 : index
    %get3A_188 = tpu.vector_load %arg11[%get3A_187] {strides = array<i32>} : memref<512xi32, #tpu.memory_space<vmem>>, vector<16xi32>,
    %gather3A_189 = tpu.vector_load_idx %arg14[%get3A_186] : memref<1024xf32, #tpu.memory_space<vmem>>[vector<16xi32>], vector<16xf32>,
    %gather3A_190 = tpu.vector_load_idx %arg15[%get3A_188] : memref<1024xf32, #tpu.memory_space<vmem>>[vector<16xi32>], vector<16xf32>,
    %add3A_191 = arith.addf %gather3A_189, %gather3A_190 : vector<16xf32>
    %swap3A_192 = arith.constant 320 : index
    %swap3A_193 = tpu.vector_load %arg16[%swap3A_192] {strides = array<i32>} : memref<512xf32, #tpu.memory_space<vmem>>, vector<16xf32>,
    tpu.vector_store %arg16[%swap3A_192], %add3A_191 {strides = array<i32>} : memref<512xf32, #tpu.memory_space<vmem>>, vector<16xf32>,
    %get3A_194 = arith.constant 336 : index
    %get3A_195 = tpu.vector_load %arg10[%get3A_194] {strides = array<i32>} : memref<512xi32, #tpu.memory_space<vmem>>, vector<16xi32>,
    %get3A_196 = arith.constant 336 : index
    %get3A_197 = tpu.vector_load %arg11[%get3A_196] {strides = array<i32>} : memref<512xi32, #tpu.memory_space<vmem>>, vector<16xi32>,
    %gather3A_198 = tpu.vector_load_idx %arg14[%get3A_195] : memref<1024xf32, #tpu.memory_space<vmem>>[vector<16xi32>], vector<16xf32>,
    %gather3A_199 = tpu.vector_load_idx %arg15[%get3A_197] : memref<1024xf32, #tpu.memory_space<vmem>>[vector<16xi32>], vector<16xf32>,
    %add3A_200 = arith.addf %gather3A_198, %gather3A_199 : vector<16xf32>
    %swap3A_201 = arith.constant 336 : index
    %swap3A_202 = tpu.vector_load %arg16[%swap3A_201] {strides = array<i32>} : memref<512xf32, #tpu.memory_space<vmem>>, vector<16xf32>,
    tpu.vector_store %arg16[%swap3A_201], %add3A_200 {strides = array<i32>} : memref<512xf32, #tpu.memory_space<vmem>>, vector<16xf32>,
    %get3A_203 = arith.constant 352 : index
    %get3A_204 = tpu.vector_load %arg10[%get3A_203] {strides = array<i32>} : memref<512xi32, #tpu.memory_space<vmem>>, vector<16xi32>,
    %get3A_205 = arith.constant 352 : index
    %get3A_206 = tpu.vector_load %arg11[%get3A_205] {strides = array<i32>} : memref<512xi32, #tpu.memory_space<vmem>>, vector<16xi32>,
    %gather3A_207 = tpu.vector_load_idx %arg14[%get3A_204] : memref<1024xf32, #tpu.memory_space<vmem>>[vector<16xi32>], vector<16xf32>,
    %gather3A_208 = tpu.vector_load_idx %arg15[%get3A_206] : memref<1024xf32, #tpu.memory_space<vmem>>[vector<16xi32>], vector<16xf32>,
    %add3A_209 = arith.addf %gather3A_207, %gather3A_208 : vector<16xf32>
    %swap3A_210 = arith.constant 352 : index
    %swap3A_211 = tpu.vector_load %arg16[%swap3A_210] {strides = array<i32>} : memref<512xf32, #tpu.memory_space<vmem>>, vector<16xf32>,
    tpu.vector_store %arg16[%swap3A_210], %add3A_209 {strides = array<i32>} : memref<512xf32, #tpu.memory_space<vmem>>, vector<16xf32>,
    %get3A_212 = arith.constant 368 : index
    %get3A_213 = tpu.vector_load %arg10[%get3A_212] {strides = array<i32>} : memref<512xi32, #tpu.memory_space<vmem>>, vector<16xi32>,
    %get3A_214 = arith.constant 368 : index
    %get3A_215 = tpu.vector_load %arg11[%get3A_214] {strides = array<i32>} : memref<512xi32, #tpu.memory_space<vmem>>, vector<16xi32>,
    %gather3A_216 = tpu.vector_load_idx %arg14[%get3A_213] : memref<1024xf32, #tpu.memory_space<vmem>>[vector<16xi32>], vector<16xf32>,
    %gather3A_217 = tpu.vector_load_idx %arg15[%get3A_215] : memref<1024xf32, #tpu.memory_space<vmem>>[vector<16xi32>], vector<16xf32>,
    %add3A_218 = arith.addf %gather3A_216, %gather3A_217 : vector<16xf32>
    %swap3A_219 = arith.constant 368 : index
    %swap3A_220 = tpu.vector_load %arg16[%swap3A_219] {strides = array<i32>} : memref<512xf32, #tpu.memory_space<vmem>>, vector<16xf32>,
    tpu.vector_store %arg16[%swap3A_219], %add3A_218 {strides = array<i32>} : memref<512xf32, #tpu.memory_space<vmem>>, vector<16xf32>,
    %get3A_221 = arith.constant 384 : index
    %get3A_222 = tpu.vector_load %arg10[%get3A_221] {strides = array<i32>} : memref<512xi32, #tpu.memory_space<vmem>>, vector<16xi32>,
    %get3A_223 = arith.constant 384 : index
    %get3A_224 = tpu.vector_load %arg11[%get3A_223] {strides = array<i32>} : memref<512xi32, #tpu.memory_space<vmem>>, vector<16xi32>,
    %gather3A_225 = tpu.vector_load_idx %arg14[%get3A_222] : memref<1024xf32, #tpu.memory_space<vmem>>[vector<16xi32>], vector<16xf32>,
    %gather3A_226 = tpu.vector_load_idx %arg15[%get3A_224] : memref<1024xf32, #tpu.memory_space<vmem>>[vector<16xi32>], vector<16xf32>,
    %add3A_227 = arith.addf %gather3A_225, %gather3A_226 : vector<16xf32>
    %swap3A_228 = arith.constant 384 : index
    %swap3A_229 = tpu.vector_load %arg16[%swap3A_228] {strides = array<i32>} : memref<512xf32, #tpu.memory_space<vmem>>, vector<16xf32>,
    tpu.vector_store %arg16[%swap3A_228], %add3A_227 {strides = array<i32>} : memref<512xf32, #tpu.memory_space<vmem>>, vector<16xf32>,
    %get3A_230 = arith.constant 400 : index
    %get3A_231 = tpu.vector_load %arg10[%get3A_230] {strides = array<i32>} : memref<512xi32, #tpu.memory_space<vmem>>, vector<16xi32>,
    %get3A_232 = arith.constant 400 : index
    %get3A_233 = tpu.vector_load %arg11[%get3A_232] {strides = array<i32>} : memref<512xi32, #tpu.memory_space<vmem>>, vector<16xi32>,
    %gather3A_234 = tpu.vector_load_idx %arg14[%get3A_231] : memref<1024xf32, #tpu.memory_space<vmem>>[vector<16xi32>], vector<16xf32>,
    %gather3A_235 = tpu.vector_load_idx %arg15[%get3A_233] : memref<1024xf32, #tpu.memory_space<vmem>>[vector<16xi32>], vector<16xf32>,
    %add3A_236 = arith.addf %gather3A_234, %gather3A_235 : vector<16xf32>
    %swap3A_237 = arith.constant 400 : index
    %swap3A_238 = tpu.vector_load %arg16[%swap3A_237] {strides = array<i32>} : memref<512xf32, #tpu.memory_space<vmem>>, vector<16xf32>,
    tpu.vector_store %arg16[%swap3A_237], %add3A_236 {strides = array<i32>} : memref<512xf32, #tpu.memory_space<vmem>>, vector<16xf32>,
    %get3A_239 = arith.constant 416 : index
    %get3A_240 = tpu.vector_load %arg10[%get3A_239] {strides = array<i32>} : memref<512xi32, #tpu.memory_space<vmem>>, vector<16xi32>,
    %get3A_241 = arith.constant 416 : index
    %get3A_242 = tpu.vector_load %arg11[%get3A_241] {strides = array<i32>} : memref<512xi32, #tpu.memory_space<vmem>>, vector<16xi32>,
    %gather3A_243 = tpu.vector_load_idx %arg14[%get3A_240] : memref<1024xf32, #tpu.memory_space<vmem>>[vector<16xi32>], vector<16xf32>,
    %gather3A_244 = tpu.vector_load_idx %arg15[%get3A_242] : memref<1024xf32, #tpu.memory_space<vmem>>[vector<16xi32>], vector<16xf32>,
    %add3A_245 = arith.addf %gather3A_243, %gather3A_244 : vector<16xf32>
    %swap3A_246 = arith.constant 416 : index
    %swap3A_247 = tpu.vector_load %arg16[%swap3A_246] {strides = array<i32>} : memref<512xf32, #tpu.memory_space<vmem>>, vector<16xf32>,
    tpu.vector_store %arg16[%swap3A_246], %add3A_245 {strides = array<i32>} : memref<512xf32, #tpu.memory_space<vmem>>, vector<16xf32>,
    %get3A_248 = arith.constant 432 : index
    %get3A_249 = tpu.vector_load %arg10[%get3A_248] {strides = array<i32>} : memref<512xi32, #tpu.memory_space<vmem>>, vector<16xi32>,
    %get3A_250 = arith.constant 432 : index
    %get3A_251 = tpu.vector_load %arg11[%get3A_250] {strides = array<i32>} : memref<512xi32, #tpu.memory_space<vmem>>, vector<16xi32>,
    %gather3A_252 = tpu.vector_load_idx %arg14[%get3A_249] : memref<1024xf32, #tpu.memory_space<vmem>>[vector<16xi32>], vector<16xf32>,
    %gather3A_253 = tpu.vector_load_idx %arg15[%get3A_251] : memref<1024xf32, #tpu.memory_space<vmem>>[vector<16xi32>], vector<16xf32>,
    %add3A_254 = arith.addf %gather3A_252, %gather3A_253 : vector<16xf32>
    %swap3A_255 = arith.constant 432 : index
    %swap3A_256 = tpu.vector_load %arg16[%swap3A_255] {strides = array<i32>} : memref<512xf32, #tpu.memory_space<vmem>>, vector<16xf32>,
    tpu.vector_store %arg16[%swap3A_255], %add3A_254 {strides = array<i32>} : memref<512xf32, #tpu.memory_space<vmem>>, vector<16xf32>,
    %get3A_257 = arith.constant 448 : index
    %get3A_258 = tpu.vector_load %arg10[%get3A_257] {strides = array<i32>} : memref<512xi32, #tpu.memory_space<vmem>>, vector<16xi32>,
    %get3A_259 = arith.constant 448 : index
    %get3A_260 = tpu.vector_load %arg11[%get3A_259] {strides = array<i32>} : memref<512xi32, #tpu.memory_space<vmem>>, vector<16xi32>,
    %gather3A_261 = tpu.vector_load_idx %arg14[%get3A_258] : memref<1024xf32, #tpu.memory_space<vmem>>[vector<16xi32>], vector<16xf32>,
    %gather3A_262 = tpu.vector_load_idx %arg15[%get3A_260] : memref<1024xf32, #tpu.memory_space<vmem>>[vector<16xi32>], vector<16xf32>,
    %add3A_263 = arith.addf %gather3A_261, %gather3A_262 : vector<16xf32>
    %swap3A_264 = arith.constant 448 : index
    %swap3A_265 = tpu.vector_load %arg16[%swap3A_264] {strides = array<i32>} : memref<512xf32, #tpu.memory_space<vmem>>, vector<16xf32>,
    tpu.vector_store %arg16[%swap3A_264], %add3A_263 {strides = array<i32>} : memref<512xf32, #tpu.memory_space<vmem>>, vector<16xf32>,
    %get3A_266 = arith.constant 464 : index
    %get3A_267 = tpu.vector_load %arg10[%get3A_266] {strides = array<i32>} : memref<512xi32, #tpu.memory_space<vmem>>, vector<16xi32>,
    %get3A_268 = arith.constant 464 : index
    %get3A_269 = tpu.vector_load %arg11[%get3A_268] {strides = array<i32>} : memref<512xi32, #tpu.memory_space<vmem>>, vector<16xi32>,
    %gather3A_270 = tpu.vector_load_idx %arg14[%get3A_267] : memref<1024xf32, #tpu.memory_space<vmem>>[vector<16xi32>], vector<16xf32>,
    %gather3A_271 = tpu.vector_load_idx %arg15[%get3A_269] : memref<1024xf32, #tpu.memory_space<vmem>>[vector<16xi32>], vector<16xf32>,
    %add3A_272 = arith.addf %gather3A_270, %gather3A_271 : vector<16xf32>
    %swap3A_273 = arith.constant 464 : index
    %swap3A_274 = tpu.vector_load %arg16[%swap3A_273] {strides = array<i32>} : memref<512xf32, #tpu.memory_space<vmem>>, vector<16xf32>,
    tpu.vector_store %arg16[%swap3A_273], %add3A_272 {strides = array<i32>} : memref<512xf32, #tpu.memory_space<vmem>>, vector<16xf32>,
    %get3A_275 = arith.constant 480 : index
    %get3A_276 = tpu.vector_load %arg10[%get3A_275] {strides = array<i32>} : memref<512xi32, #tpu.memory_space<vmem>>, vector<16xi32>,
    %get3A_277 = arith.constant 480 : index
    %get3A_278 = tpu.vector_load %arg11[%get3A_277] {strides = array<i32>} : memref<512xi32, #tpu.memory_space<vmem>>, vector<16xi32>,
    %gather3A_279 = tpu.vector_load_idx %arg14[%get3A_276] : memref<1024xf32, #tpu.memory_space<vmem>>[vector<16xi32>], vector<16xf32>,
    %gather3A_280 = tpu.vector_load_idx %arg15[%get3A_278] : memref<1024xf32, #tpu.memory_space<vmem>>[vector<16xi32>], vector<16xf32>,
    %add3A_281 = arith.addf %gather3A_279, %gather3A_280 : vector<16xf32>
    %swap3A_282 = arith.constant 480 : index
    %swap3A_283 = tpu.vector_load %arg16[%swap3A_282] {strides = array<i32>} : memref<512xf32, #tpu.memory_space<vmem>>, vector<16xf32>,
    tpu.vector_store %arg16[%swap3A_282], %add3A_281 {strides = array<i32>} : memref<512xf32, #tpu.memory_space<vmem>>, vector<16xf32>,
    %get3A_284 = arith.constant 496 : index
    %get3A_285 = tpu.vector_load %arg10[%get3A_284] {strides = array<i32>} : memref<512xi32, #tpu.memory_space<vmem>>, vector<16xi32>,
    %get3A_286 = arith.constant 496 : index
    %get3A_287 = tpu.vector_load %arg11[%get3A_286] {strides = array<i32>} : memref<512xi32, #tpu.memory_space<vmem>>, vector<16xi32>,
    %gather3A_288 = tpu.vector_load_idx %arg14[%get3A_285] : memref<1024xf32, #tpu.memory_space<vmem>>[vector<16xi32>], vector<16xf32>,
    %gather3A_289 = tpu.vector_load_idx %arg15[%get3A_287] : memref<1024xf32, #tpu.memory_space<vmem>>[vector<16xi32>], vector<16xf32>,
    %add3A_290 = arith.addf %gather3A_288, %gather3A_289 : vector<16xf32>
    %swap3A_291 = arith.constant 496 : index
    %swap3A_292 = tpu.vector_load %arg16[%swap3A_291] {strides = array<i32>} : memref<512xf32, #tpu.memory_space<vmem>>, vector<16xf32>,
    tpu.vector_store %arg16[%swap3A_291], %add3A_290 {strides = array<i32>} : memref<512xf32, #tpu.memory_space<vmem>>, vector<16xf32>,
    "tpu.region"() ({
      %run_scoped3A = tpu.sem_alloc : memref<!tpu.dma_semaphore, #tpu.memory_space<semaphore_mem>>
      %dma_start3A_298 = tpu.memref_slice %arg9[%mul3A_2] : memref<16384xf32, #tpu.memory_space<hbm>> -> memref<512xf32, #tpu.memory_space<hbm>>
      %dma_start3A_299 = tpu.memref_slice %arg9[%mul3A_2] : memref<16384xf32, #tpu.memory_space<hbm>> -> memref<512xf32, #tpu.memory_space<hbm>>
      tpu.enqueue_dma source(%arg16 : memref<512xf32, #tpu.memory_space<vmem>>) target(%dma_start3A_299 : memref<512xf32, #tpu.memory_space<hbm>>) target_semaphore(%run_scoped3A : memref<!tpu.dma_semaphore, #tpu.memory_space<semaphore_mem>>)
      %dma_wait3A_300 = tpu.memref_slice %arg9[%mul3A_2] : memref<16384xf32, #tpu.memory_space<hbm>> -> memref<512xf32, #tpu.memory_space<hbm>>
      %dma_wait3A_301 = tpu.memref_slice %arg9[%mul3A_2] : memref<16384xf32, #tpu.memory_space<hbm>> -> memref<512xf32, #tpu.memory_space<hbm>>
      tpu.wait_dma2 semaphore(%run_scoped3A : memref<!tpu.dma_semaphore, #tpu.memory_space<semaphore_mem>>) src(%arg16 : memref<512xf32, #tpu.memory_space<vmem>>) dst(%dma_wait3A_301 : memref<512xf32, #tpu.memory_space<hbm>>)
      tpu.yield
    }) : () -> ()
    %dma_wait3A = arith.constant 0 : i32
    %dma_wait3A_293 = arith.constant 0 : i32
    %dma_wait3A_294 = tpu.memref_slice %arg2[%dma_wait3A, %dma_wait3A_293] : memref<1000x64xf32, #tpu.memory_space<hbm>> -> memref<1000x64xf32, #tpu.memory_space<hbm>>
    tpu.wait_indirect_dma semaphore(%arg17 : memref<!tpu.dma_semaphore, #tpu.memory_space<semaphore_mem>>) src(%dma_wait3A_294 : memref<1000x64xf32, #tpu.memory_space<hbm>>) dst(%arg12 : memref<512x64xf32, #tpu.memory_space<vmem>>)
    "tpu.region"() ({
      %run_scoped3A = tpu.sem_alloc : memref<!tpu.dma_semaphore, #tpu.memory_space<semaphore_mem>>
      %dma_start3A_298 = arith.constant 0 : i32
      %dma_start3A_299 = tpu.memref_slice %arg8[%mul3A_2, %dma_start3A_298] : memref<16384x128xf32, #tpu.memory_space<hbm>> -> memref<512x64xf32, #tpu.memory_space<hbm>>
      %dma_start3A_300 = arith.constant 0 : i32
      %dma_start3A_301 = tpu.memref_slice %arg8[%mul3A_2, %dma_start3A_300] : memref<16384x128xf32, #tpu.memory_space<hbm>> -> memref<512x64xf32, #tpu.memory_space<hbm>>
      tpu.enqueue_dma source(%arg12 : memref<512x64xf32, #tpu.memory_space<vmem>>) target(%dma_start3A_301 : memref<512x64xf32, #tpu.memory_space<hbm>>) target_semaphore(%run_scoped3A : memref<!tpu.dma_semaphore, #tpu.memory_space<semaphore_mem>>)
      %dma_wait3A_302 = arith.constant 0 : i32
      %dma_wait3A_303 = tpu.memref_slice %arg8[%mul3A_2, %dma_wait3A_302] : memref<16384x128xf32, #tpu.memory_space<hbm>> -> memref<512x64xf32, #tpu.memory_space<hbm>>
      %dma_wait3A_304 = arith.constant 0 : i32
      %dma_wait3A_305 = tpu.memref_slice %arg8[%mul3A_2, %dma_wait3A_304] : memref<16384x128xf32, #tpu.memory_space<hbm>> -> memref<512x64xf32, #tpu.memory_space<hbm>>
      tpu.wait_dma2 semaphore(%run_scoped3A : memref<!tpu.dma_semaphore, #tpu.memory_space<semaphore_mem>>) src(%arg12 : memref<512x64xf32, #tpu.memory_space<vmem>>) dst(%dma_wait3A_305 : memref<512x64xf32, #tpu.memory_space<hbm>>)
      tpu.yield
    }) : () -> ()
    %dma_wait3A_295 = arith.constant 0 : i32
    %dma_wait3A_296 = arith.constant 0 : i32
    %dma_wait3A_297 = tpu.memref_slice %arg3[%dma_wait3A_295, %dma_wait3A_296] : memref<1000x64xf32, #tpu.memory_space<hbm>> -> memref<1000x64xf32, #tpu.memory_space<hbm>>
    tpu.wait_indirect_dma semaphore(%arg18 : memref<!tpu.dma_semaphore, #tpu.memory_space<semaphore_mem>>) src(%dma_wait3A_297 : memref<1000x64xf32, #tpu.memory_space<hbm>>) dst(%arg13 : memref<512x64xf32, #tpu.memory_space<vmem>>)
    "tpu.region"() ({
      %run_scoped3A = tpu.sem_alloc : memref<!tpu.dma_semaphore, #tpu.memory_space<semaphore_mem>>
      %dma_start3A_298 = arith.constant 64 : i32
      %dma_start3A_299 = tpu.memref_slice %arg8[%mul3A_2, %dma_start3A_298] : memref<16384x128xf32, #tpu.memory_space<hbm>> -> memref<512x64xf32, #tpu.memory_space<hbm>>
      %dma_start3A_300 = arith.constant 64 : i32
      %dma_start3A_301 = tpu.memref_slice %arg8[%mul3A_2, %dma_start3A_300] : memref<16384x128xf32, #tpu.memory_space<hbm>> -> memref<512x64xf32, #tpu.memory_space<hbm>>
      tpu.enqueue_dma source(%arg13 : memref<512x64xf32, #tpu.memory_space<vmem>>) target(%dma_start3A_301 : memref<512x64xf32, #tpu.memory_space<hbm>>) target_semaphore(%run_scoped3A : memref<!tpu.dma_semaphore, #tpu.memory_space<semaphore_mem>>)
      %dma_wait3A_302 = arith.constant 64 : i32
      %dma_wait3A_303 = tpu.memref_slice %arg8[%mul3A_2, %dma_wait3A_302] : memref<16384x128xf32, #tpu.memory_space<hbm>> -> memref<512x64xf32, #tpu.memory_space<hbm>>
      %dma_wait3A_304 = arith.constant 64 : i32
      %dma_wait3A_305 = tpu.memref_slice %arg8[%mul3A_2, %dma_wait3A_304] : memref<16384x128xf32, #tpu.memory_space<hbm>> -> memref<512x64xf32, #tpu.memory_space<hbm>>
      tpu.wait_dma2 semaphore(%run_scoped3A : memref<!tpu.dma_semaphore, #tpu.memory_space<semaphore_mem>>) src(%arg13 : memref<512x64xf32, #tpu.memory_space<vmem>>) dst(%dma_wait3A_305 : memref<512x64xf32, #tpu.memory_space<hbm>>)
      tpu.yield
    }) : () -> ()
    return
  }
}

module attributes {stable_mosaic.version = 14 : i64} {
  func.func @tc_rating_dense(%arg0: i32, %arg1: memref<4096x128xf32, #tpu.memory_space<vmem>>, %arg2: memref<4096x128xf32, #tpu.memory_space<vmem>>, %arg3: memref<128x64xf32, #tpu.memory_space<vmem>>, %arg4: memref<1x64xf32, #tpu.memory_space<vmem>>, %arg5: memref<128x64xf32, #tpu.memory_space<vmem>>, %arg6: memref<1x64xf32, #tpu.memory_space<vmem>>, %arg7: memref<4096x128xf32, #tpu.memory_space<vmem>>, %arg8: memref<4096xf32, #tpu.memory_space<vmem>>, %arg9: memref<64x1xf32, #tpu.memory_space<vmem>>, %arg10: memref<4096xf32, #tpu.memory_space<vmem>>) attributes {dimension_semantics = [#tpu.dimension_semantics<arbitrary>], iteration_bounds = array<i64: 4>, scalar_prefetch = 0 : i64, scratch_operands = 0 : i64, tpu.core_type = #tpu.core_type<tc>, window_params = [{transform_indices = @transform_0, window_bounds = array<i64: 4096, 128>}, {transform_indices = @transform_1, window_bounds = array<i64: 4096, 128>}, {pipeline_mode = #tpu.pipeline_mode<synchronous>, transform_indices = @transform_2, window_bounds = array<i64: 128, 64>}, {pipeline_mode = #tpu.pipeline_mode<synchronous>, transform_indices = @transform_3, window_bounds = array<i64: 1, 64>}, {pipeline_mode = #tpu.pipeline_mode<synchronous>, transform_indices = @transform_4, window_bounds = array<i64: 128, 64>}, {pipeline_mode = #tpu.pipeline_mode<synchronous>, transform_indices = @transform_5, window_bounds = array<i64: 1, 64>}, {transform_indices = @transform_6, window_bounds = array<i64: 4096, 128>}, {transform_indices = @transform_7, window_bounds = array<i64: 4096>}, {pipeline_mode = #tpu.pipeline_mode<synchronous>, transform_indices = @transform_8, window_bounds = array<i64: 64, 1>}, {transform_indices = @transform_9, window_bounds = array<i64: 4096>}]} {
    %get3A = arith.constant 0 : index
    %get3A_0 = arith.constant 0 : index
    %get3A_1 = vector.load %arg1[%get3A, %get3A_0] : memref<4096x128xf32, #tpu.memory_space<vmem>>, vector<4096x128xf32>
    %get3A_2 = arith.constant 0 : index
    %get3A_3 = arith.constant 0 : index
    %get3A_4 = vector.load %arg3[%get3A_2, %get3A_3] : memref<128x64xf32, #tpu.memory_space<vmem>>, vector<128x64xf32>
    %dot_general3A = arith.constant dense<0.000000e+00> : vector<4096x64xf32>
    %dot_general3A_5 = tpu.matmul %get3A_1, %get3A_4, %dot_general3A {dimension_numbers = #tpu.dot_dimension_numbers<[1], [0], [0], [1], [0, 0, 1, 1], [], []>, transpose_lhs_hint = false} : vector<4096x128xf32>, vector<128x64xf32>, vector<4096x64xf32> -> vector<4096x64xf32>
    %get3A_6 = arith.constant 0 : index
    %get3A_7 = arith.constant 0 : index
    %get3A_8 = vector.load %arg4[%get3A_6, %get3A_7] : memref<1x64xf32, #tpu.memory_space<vmem>>, vector<1x64xf32>
    %add3A = vector.broadcast %get3A_8 : vector<1x64xf32> to vector<4096x64xf32>
    %add3A_9 = arith.addf %dot_general3A_5, %add3A : vector<4096x64xf32>
    %max3A = arith.constant 0.000000e+00 : f32
    %max3A_10 = vector.broadcast %max3A : f32 to vector<4096x64xf32>
    %max3A_11 = arith.maximumf %add3A_9, %max3A_10 : vector<4096x64xf32>
    %get3A_12 = arith.constant 0 : index
    %get3A_13 = arith.constant 0 : index
    %get3A_14 = vector.load %arg2[%get3A_12, %get3A_13] : memref<4096x128xf32, #tpu.memory_space<vmem>>, vector<4096x128xf32>
    %get3A_15 = arith.constant 0 : index
    %get3A_16 = arith.constant 0 : index
    %get3A_17 = vector.load %arg5[%get3A_15, %get3A_16] : memref<128x64xf32, #tpu.memory_space<vmem>>, vector<128x64xf32>
    %dot_general3A_18 = arith.constant dense<0.000000e+00> : vector<4096x64xf32>
    %dot_general3A_19 = tpu.matmul %get3A_14, %get3A_17, %dot_general3A_18 {dimension_numbers = #tpu.dot_dimension_numbers<[1], [0], [0], [1], [0, 0, 1, 1], [], []>, transpose_lhs_hint = false} : vector<4096x128xf32>, vector<128x64xf32>, vector<4096x64xf32> -> vector<4096x64xf32>
    %get3A_20 = arith.constant 0 : index
    %get3A_21 = arith.constant 0 : index
    %get3A_22 = vector.load %arg6[%get3A_20, %get3A_21] : memref<1x64xf32, #tpu.memory_space<vmem>>, vector<1x64xf32>
    %add3A_23 = vector.broadcast %get3A_22 : vector<1x64xf32> to vector<4096x64xf32>
    %add3A_24 = arith.addf %dot_general3A_19, %add3A_23 : vector<4096x64xf32>
    %max3A_25 = arith.constant 0.000000e+00 : f32
    %max3A_26 = vector.broadcast %max3A_25 : f32 to vector<4096x64xf32>
    %max3A_27 = arith.maximumf %add3A_24, %max3A_26 : vector<4096x64xf32>
    %get3A_28 = arith.constant 0 : index
    %get3A_29 = arith.constant 0 : index
    %get3A_30 = vector.load %arg7[%get3A_28, %get3A_29] : memref<4096x128xf32, #tpu.memory_space<vmem>>, vector<4096x64xf32>
    %add3A_31 = arith.addf %get3A_30, %max3A_11 : vector<4096x64xf32>
    %get3A_32 = arith.constant 0 : index
    %get3A_33 = arith.constant 64 : index
    %get3A_34 = vector.load %arg7[%get3A_32, %get3A_33] : memref<4096x128xf32, #tpu.memory_space<vmem>>, vector<4096x64xf32>
    %add3A_35 = arith.addf %get3A_34, %max3A_27 : vector<4096x64xf32>
    %mul3A = arith.mulf %add3A_31, %add3A_35 : vector<4096x64xf32>
    %get3A_36 = arith.constant 0 : index
    %get3A_37 = arith.constant 0 : index
    %get3A_38 = vector.load %arg9[%get3A_36, %get3A_37] : memref<64x1xf32, #tpu.memory_space<vmem>>, vector<64x1xf32>
    %dot_general3A_39 = arith.constant dense<0.000000e+00> : vector<4096x1xf32>
    %dot_general3A_40 = tpu.matmul %mul3A, %get3A_38, %dot_general3A_39 {dimension_numbers = #tpu.dot_dimension_numbers<[1], [0], [0], [1], [0, 0, 1, 1], [], []>, transpose_lhs_hint = false} : vector<4096x64xf32>, vector<64x1xf32>, vector<4096x1xf32> -> vector<4096x1xf32>
    %squeeze3A = vector.shape_cast %dot_general3A_40 : vector<4096x1xf32> to vector<4096xf32>
    %get3A_41 = arith.constant 0 : index
    %get3A_42 = vector.load %arg8[%get3A_41] : memref<4096xf32, #tpu.memory_space<vmem>>, vector<4096xf32>
    %add3A_43 = arith.addf %get3A_42, %squeeze3A : vector<4096xf32>
    %logistic3A = arith.negf %add3A_43 : vector<4096xf32>
    %logistic3A_44 = math.exp %logistic3A : vector<4096xf32>
    %logistic3A_45 = arith.constant 1.000000e+00 : f32
    %logistic3A_46 = vector.broadcast %logistic3A_45 : f32 to vector<4096xf32>
    %logistic3A_47 = arith.addf %logistic3A_46, %logistic3A_44 : vector<4096xf32>
    %logistic3A_48 = arith.divf %logistic3A_46, %logistic3A_47 : vector<4096xf32>
    %mul3A_49 = arith.constant 4.000000e+00 : f32
    %mul3A_50 = vector.broadcast %mul3A_49 : f32 to vector<4096xf32>
    %mul3A_51 = arith.mulf %mul3A_50, %logistic3A_48 : vector<4096xf32>
    %add3A_52 = arith.constant 1.000000e+00 : f32
    %add3A_53 = vector.broadcast %add3A_52 : f32 to vector<4096xf32>
    %add3A_54 = arith.addf %mul3A_51, %add3A_53 : vector<4096xf32>
    %swap3A = arith.constant 0 : index
    %swap3A_55 = vector.load %arg10[%swap3A] : memref<4096xf32, #tpu.memory_space<vmem>>, vector<4096xf32>
    tpu.vector_store %arg10[%swap3A], %add3A_54 {strides = array<i32>} : memref<4096xf32, #tpu.memory_space<vmem>>, vector<4096xf32>,
    return
  }
  func.func @transform_0(%arg0: i32) -> (i32, i32) {
    %c0_i32 = arith.constant 0 : i32
    %c0_i32_0 = arith.constant 0 : i32
    return %arg0, %c0_i32 : i32, i32
  }
  func.func @transform_1(%arg0: i32) -> (i32, i32) {
    %c0_i32 = arith.constant 0 : i32
    %c0_i32_0 = arith.constant 0 : i32
    return %arg0, %c0_i32 : i32, i32
  }
  func.func @transform_2(%arg0: i32) -> (i32, i32) {
    %c0_i32 = arith.constant 0 : i32
    %c0_i32_0 = arith.constant 0 : i32
    %c0_i32_1 = arith.constant 0 : i32
    return %c0_i32, %c0_i32_0 : i32, i32
  }
  func.func @transform_3(%arg0: i32) -> (i32, i32) {
    %c0_i32 = arith.constant 0 : i32
    %c0_i32_0 = arith.constant 0 : i32
    %c0_i32_1 = arith.constant 0 : i32
    return %c0_i32, %c0_i32_0 : i32, i32
  }
  func.func @transform_4(%arg0: i32) -> (i32, i32) {
    %c0_i32 = arith.constant 0 : i32
    %c0_i32_0 = arith.constant 0 : i32
    %c0_i32_1 = arith.constant 0 : i32
    return %c0_i32, %c0_i32_0 : i32, i32
  }
  func.func @transform_5(%arg0: i32) -> (i32, i32) {
    %c0_i32 = arith.constant 0 : i32
    %c0_i32_0 = arith.constant 0 : i32
    %c0_i32_1 = arith.constant 0 : i32
    return %c0_i32, %c0_i32_0 : i32, i32
  }
  func.func @transform_6(%arg0: i32) -> (i32, i32) {
    %c0_i32 = arith.constant 0 : i32
    %c0_i32_0 = arith.constant 0 : i32
    return %arg0, %c0_i32 : i32, i32
  }
  func.func @transform_7(%arg0: i32) -> i32 {
    %c0_i32 = arith.constant 0 : i32
    return %arg0 : i32
  }
  func.func @transform_8(%arg0: i32) -> (i32, i32) {
    %c0_i32 = arith.constant 0 : i32
    %c0_i32_0 = arith.constant 0 : i32
    %c0_i32_1 = arith.constant 0 : i32
    return %c0_i32, %c0_i32_0 : i32, i32
  }
  func.func @transform_9(%arg0: i32) -> i32 {
    %c0_i32 = arith.constant 0 : i32
    return %arg0 : i32
  }
}

</mosaic_0001>

<sc_bundles>
// kernel: sc_embed_gather.3.cloned.1.call-start
scs
__scs_entry_jumppad:
0x0: {  	(pc) =	sbr.rel $0x88, $3  }
0x1: {  	(tag) =	ssettag $0x0;
	lr =	simm.s32 $0x1  }
0x2: {  	[smem:$0x3F95] =	sst lr;
	_ =	strace $0xD0000000  }
0x3: {  	_ = 	snop  }
0x4: {  	_ = 	snop  }
0x5: {  	_ = 	snop  }
0x6: {  	_ = 	snop  }
0x7: {  	_ = 	snop  }
__scs_overlays_trampoline_lowered:
0x8: {  	[smem:$0x3FA4] =	sst s0  }
0x9: {  	[smem:$0x3FA5] =	sst s1  }
0xa: {  	[smem:$0x3FA6] =	sst s2  }
0xb: {  	[smem:$0x3FA7] =	sst s3  }
0xc: {  	[smem:$0x3FA8] =	sst s4  }
0xd: {  	[smem:$0x3FA9] =	sst s5  }
0xe: {  	[smem:$0x3FAA] =	sst s6  }
0xf: {  	[smem:$0x3FAB] =	sst s7  }
0x10: {  	[smem:$0x3FAC] =	sst s8  }
0x11: {  	[smem:$0x3FAD] =	sst s9;
	s0 =	simm.s32 @!p0 $0x0  }
0x12: {  	s1 =	sld [smem:$0x3F93];
	s0 =	simm.s32 @p0 $0x1  }
0x13: {  	[smem:$0x3FAE] =	sst s0;
	s0 =	simm.s32 @!p1 $0x0  }
0x14: {  	s2 =	sld [smem:$0x3F92];
	s0 =	simm.s32 @p1 $0x1  }
0x15: {  	[smem:$0x3FAF] =	sst s0;
	s0 =	simm.s32 @!p2 $0x0  }
0x16: {  	s3 =	sld [smem:$0x3FDB];
	s0 =	simm.s32 @p2 $0x1  }
0x17: {  	s4 =	simm.s32 $0x1BF5;
	[smem:$0x3FB1] =	sst s0  }
0x18: {  	s0 =	sld [smem:$0x3F94];
	_ =	swait.ge [sflag:s4], $0x0  }
0x19: {  	s7 =	sld [smem:$0x3F95]  }
0x1a: {  	s8 =	sadd.s32 $0xFFFFE003, lr  }
0x1b: {  	s9 =	sadd.s32 $0xFFFFFEF7, lr;
	s5 =	simm.s32 $0xFFFFFFFF;
	p2 =	slt.u32 s8, $0xFFFFF086  }
0x1c: {  	p1 =	slt.u32 s9, $0xF7A;
	s5 =	simm.s32 @!p2 $0x0  }
0x1d: {  	s5 =	simm.s32 @p1 $0x1;
	p0 =	seq.s32 s7, s2  }
0x1e: {  	s7 =	smul.u32 @!p0 $0xF7A, s2;
	p2 =	seq.s32 @!p0 s5, $0x0  }
0x1f: {  	s9 =	smul.u32 $0xF7A, s1;
	s8 =	simm.s32 @!p0 $0x1BF5;
	p2 =	por !p2, p0  }
0x20: {  	[sflag:s8] =	ssyncset.s32 @!p0 $0xFFFFF086;
	s6 =	sadd.s32 @!p0 s3, s7;
	s7 =	simm.s32 @!p0 $0x108  }
0x21: {  	s3 =	sadd.s32 s3, s9;
	s6 =	sadd.s32 @!p0 $0x88, s6;
	s7 =	simm.s32 @p2 $0x1082  }
0x22: {  	[simem:s7], [sflag:s8] =	dma.local @!p0 [hbm:s6], $0xF7A  }
0x23: {  	s9 =	sor.u32 $0xD0000000, s2;
	s6 =	simm.s32 $0x108;
	_ =	swait.ge @!p0 [sflag:s8], $0x0  }
0x24: {  	s3 =	sadd.s32 $0x88, s3;
	s6 =	simm.s32 @!p1 $0x1082;
	[sflag:s4] =	ssyncset.s32 $0xFFFFF086  }
0x25: {  	[simem:s6], [sflag:s4] =	dma.local [hbm:s3], $0xF7A  }
0x26: {  	[smem:$0x3F95] =	sst s1;
	(tag) =	ssettag s2;
	_ =	strace s9  }
0x27: {  	s1 =	sld [smem:$0x3FA5]  }
0x28: {  	s2 =	sld [smem:$0x3FA6]  }
0x29: {  	s4 =	sld [smem:$0x3FA8]  }
0x2a: {  	p0 =	seq.s32 s5, $0x0;
	s5 =	sld [smem:$0x3FA9]  }
0x2b: {  	s6 =	sld [smem:$0x3FAA]  }
0x2c: {  	s7 =	sld [smem:$0x3FAB]  }
0x2d: {  	s3 =	simm.s32 $0x108;
	s8 =	sld [smem:$0x3FAC]  }
0x2e: {  	s3 =	simm.s32 @!p0 $0x1082;
	s9 =	sld [smem:$0x3FAD]  }
0x2f: {  	lr =	sadd.s32 s0, s3;
	s0 =	sld [smem:$0x3FA4]  }
0x30: {  	s3 =	sld [smem:$0x3FA7]  }
0x31: {  	[smem:$0x3FB0] =	sst s10  }
0x32: {  	s10 =	sld [smem:$0x3FAE];
	_ =	sdelay $0x3  }
0x33: {  	p0 =	seq.s32 s10, $0x1;
	s10 =	sld [smem:$0x3FB0];
	_ =	sdelay $0x3  }
0x34: {  	[smem:$0x3FB0] =	sst s10  }
0x35: {  	s10 =	sld [smem:$0x3FAF];
	_ =	sdelay $0x3  }
0x36: {  	p1 =	seq.s32 s10, $0x1;
	s10 =	sld [smem:$0x3FB0];
	_ =	sdelay $0x3  }
0x37: {  	[smem:$0x3FB0] =	sst s10  }
0x38: {  	s10 =	sld [smem:$0x3FB1]  }
0x39: {  	_ = 	snop;
	(pc) =	sbr.ind lr, $3  }
0x3a: {  	_ = 	snop  }
0x3b: {  	_ = 	snop  }
0x3c: {  	p2 =	seq.s32 s10, $0x1;
	s10 =	sld [smem:$0x3FB0]  }
0x3d: {  	_ =	shalt  }
0x3e: {  	_ =	shalt  }
0x3f: {  	_ =	shalt  }
0x40: {  	_ =	shalt  }
0x41: {  	_ =	shalt  }
0x42: {  	_ =	shalt  }
0x43: {  	_ =	shalt  }
0x44: {  	_ =	shalt  }
0x45: {  	_ =	shalt  }
0x46: {  	_ =	shalt  }
0x47: {  	_ =	shalt  }
0x48: {  	_ =	shalt  }
0x49: {  	_ =	shalt  }
0x4a: {  	_ =	shalt  }
0x4b: {  	_ =	shalt  }
0x4c: {  	_ =	shalt  }
0x4d: {  	_ =	shalt  }
0x4e: {  	_ =	shalt  }
0x4f: {  	_ =	shalt  }
0x50: {  	_ =	shalt  }
0x51: {  	_ =	shalt  }
0x52: {  	_ =	shalt  }
0x53: {  	_ =	shalt  }
0x54: {  	_ =	shalt  }
0x55: {  	_ =	shalt  }
0x56: {  	_ =	shalt  }
0x57: {  	_ =	shalt  }
0x58: {  	_ =	shalt  }
0x59: {  	_ =	shalt  }
0x5a: {  	_ =	shalt  }
0x5b: {  	_ =	shalt  }
0x5c: {  	_ =	shalt  }
0x5d: {  	_ =	shalt  }
0x5e: {  	_ =	shalt  }
0x5f: {  	_ =	shalt  }
0x60: {  	_ =	shalt  }
0x61: {  	_ =	shalt  }
0x62: {  	_ =	shalt  }
0x63: {  	_ =	shalt  }
0x64: {  	_ =	shalt  }
0x65: {  	_ =	shalt  }
0x66: {  	_ =	shalt  }
0x67: {  	_ =	shalt  }
0x68: {  	_ =	shalt  }
0x69: {  	_ =	shalt  }
0x6a: {  	_ =	shalt  }
0x6b: {  	_ =	shalt  }
0x6c: {  	_ =	shalt  }
0x6d: {  	_ =	shalt  }
0x6e: {  	_ =	shalt  }
0x6f: {  	_ =	shalt  }
0x70: {  	_ =	shalt  }
0x71: {  	_ =	shalt  }
0x72: {  	_ =	shalt  }
0x73: {  	_ =	shalt  }
0x74: {  	_ =	shalt  }
0x75: {  	_ =	shalt  }
0x76: {  	_ =	shalt  }
0x77: {  	_ =	shalt  }
0x78: {  	_ =	shalt  }
0x79: {  	_ =	shalt  }
0x7a: {  	_ =	shalt  }
0x7b: {  	_ =	shalt  }
0x7c: {  	_ =	shalt  }
0x7d: {  	_ =	shalt  }
0x7e: {  	_ =	shalt  }
0x7f: {  	_ =	shalt  }
0x80: {  	_ =	shalt  }
0x81: {  	_ =	shalt  }
0x82: {  	_ =	shalt  }
0x83: {  	_ =	shalt  }
0x84: {  	_ =	shalt  }
0x85: {  	_ =	shalt  }
0x86: {  	_ =	shalt  }
0x87: {  	_ =	shalt  }
.Lfunc_end0:
.L_simem_size_0:
called_computation_lowered:
.L_overlay_start_0:
0x88: {  	s2 =	sld [smem:$0x3FD9]  }
0x89: {  	s3 =	sld [smem:$0x3FFE];
	_ =	sdelay $0x1  }
0x8a: {  	s1 =	srdreg.scid  }
0x8b: {  	s0 =	sand.u32 $0x1, s1  }
0x8c: {  	s17 =	sshll.u32 s0, $0xA;
	s2 =	sadd.s32 s3, s2  }
0x8d: {  	s2 =	sadd.s32 s2, s17  }
0x8e: {  	[smem:$0x3FBC] =	sst s2  }
0x8f: {  	_ = 	snop  }
0x90: {  	s2 =	sld [smem:$0x3FC9]  }
0x91: {  	s18 =	sld [smem:$0x3FC8]  }
0x92: {  	s4 =	sld [smem:$0x3FD0];
	(tm) =	ssettm $0x1  }
0x93: {  	s5 =	sld [smem:$0x3FFB];
	_ =	sdelay $0x3  }
0x94: {  	_ =	strace s5  }
0x95: {  	s5 =	sld [smem:$0x3FFC];
	_ =	sdelay $0x3  }
0x96: {  	_ =	strace s5  }
0x97: {  	s5 =	sld [smem:$0x3FFD];
	_ =	sdelay $0x3  }
0x98: {  	_ =	strace s5  }
0x99: {  	_ =	strace $0x8FFFFFFF  }
0x9a: {  	s19 =	sld [smem:$0x3FDB];
	_ =	sdelay $0x1  }
0x9b: {  	s6 =	simm.s32 $_scs_section_size  }
0x9c: {  	s7 =	simm.s32 $_size__tile_overlayer_lowered;
	s8 =	simm.s32 $_tile_overlayer_lowered  }
0x9d: {  	s22 =	simm.s32 $0x1BFF;
	s21 =	sshll.u32 s8, $0x1;
	s5 =	sadd.s32 s6, s19  }
0x9e: {  	s9 =	simm.s32 $0x0;
	s20 =	sshll.u32 s7, $0x1;
	s7 =	sadd.s32 s21, s5  }
0x9f: {  	[timem:s9], [sflag:s22] =	dma.local [hbm:s7], s20  }
0xa0: {  	_ =	swait.ge [sflag:s22], s20  }
0xa1: {  	s6 =	ssub.s32 $0x0, s20;
	[sflag:s22] =	ssyncset.done $0x0  }
0xa2: {  	[sflag:s22] =	ssyncadd.s32 s6;
	_ =	sdelay $0x1  }
0xa3: {  	s23 =	simm.s32 $0x1B8B  }
0xa4: {  	_ =	swait.ge [sflag:s23], $0x1  }
0xa5: {  	[sflag:s23] =	ssyncset.done $0x0  }
0xa6: {  	s25 =	simm.s32 $0x1B8E;
	s24 =	sld [smem:$0x3FFE];
	[sflag:s23] =	ssyncadd.s32 $0xFFFFFFFF  }
0xa7: {  	s26 =	simm.s32 $execute0_lowered;
	[smem:$0x3FD2] =	sst s25  }
0xa8: {  	s7 =	sshll.u32 s26, $0x1;
	_ =	strace $0x80000046;
	[dreg:$0x1] =	wrdreg $0xFFFFFFFF  }
0xa9: {  	s28 =	simm.s32 $_size_execute0_lowered;
	s5 =	sadd.s32 s5, s7;
	[dreg:$0x0] =	wrdreg $0x0  }
0xaa: {  	s7 =	sshll.u32 s28, $0x1;
	[dreg:$0x2] =	wrdreg s5  }
0xab: {  	[dreg:$0x3] =	wrdreg s7  }
0xac: {  	[dreg:$0x4] =	wrdreg $0xC0  }
0xad: {  	_ =	task [dreg:s9], $0x5FFFF  }
0xae: {  	[dreg:$0x1] =	wrdreg $0xFFFFFFFF  }
0xaf: {  	[dreg:$0x0] =	wrdreg $0x60  }
0xb0: {  	[dreg:$0x2] =	wrdreg s24  }
0xb1: {  	[dreg:$0x3] =	wrdreg s2  }
0xb2: {  	[dreg:$0x4] =	wrdreg s18  }
0xb3: {  	[dreg:$0x5] =	wrdreg s4  }
0xb4: {  	[dreg:$0x6] =	wrdreg $0x9  }
0xb5: {  	_ =	task.clear_ibuf [dreg:s9], $0x7FFFF;
	_ =	strace $0x90000046  }
0xb6: {  	s29 =	simm.s32 $0x9;
	_ =	strace $0x80000048  }
0xb7: {  	_ =	swait.ge [sflag:s29], $0x1  }
0xb8: {  	[sflag:s29] =	ssyncadd.s32 $0xFFFFFFFF  }
0xb9: {  	_ =	strace $0x90000048  }
0xba: {  	_ =	sfence  }
0xbb: {  	s30 =	sld [smem:$0x0];
	_ =	sdelay $0x2  }
0xbc: {  	s31 =	sshll.u32 s1, $0xD;
	s1 =	sshrl.u32 s1, $0x2  }
0xbd: {  	s3 =	sand.u32 $0x4000, s31;
	s1 =	sadd.s32 s1, s30  }
0xbe: {  	s0 =	sor.u32 s3, s0;
	s1 =	sshll.u32 s1, $0x11  }
0xbf: {  	s0 =	sor.u32 s1, s0  }
0xc0: {  	s0 =	sadd.s32 $0x8F2B, s0  }
0xc1: {  	[sflag:s0] =	ssyncadd.remote.s32 $0x1  }
0xc2: {  	_ =	sfence.sel $0xFFFF  }
0xc3: {  	[dreg:$0x0] =	wrdreg $0xFFFFFFFF;
	(pc) =	sbr.abs _section_cstart, $3  }
0xc4: {  	[dreg:$0x1] =	wrdreg $0xFFFFFFFF  }
0xc5: {  	_ =	task.clear_ibuf [dreg:s9], $0x2FFFF;
	_ =	strace $0x9FFFFFFF  }
0xc6: {  	(tm) =	ssettm $0x7FFFFFFF  }
0xc7: {  	_ =	shalt  }
tec
execute0_lowered:
.L_overlay_start_1:
0x0: {  	(tag) =	ssettag $0x1  }
0x1: {  	s15 =	rddreg [dreg:$0x0]  }
0x2: {  	s2 =	rddreg [dreg:$0x1];
	s1 =	srdreg.scid  }
0x3: {  	s4 =	rddreg [dreg:$0x2];
	s0 =	stileid.u32;
	s17 =	sand.u32 $0x1, s1  }
0x4: {  	s16 =	rddreg [dreg:$0x3];
	s5 =	sshll.u32 s0, $0xA;
	s6 =	sshll.u32 s17, $0x9  }
0x5: {  	s3 =	simm.s32 $0x0;
	s1 =	rddreg [dreg:$0x4];
	s19 =	sor.u32 s6, s5  }
0x6: {  	[smem:$0x7FF] =	sst s3;
	s18 =	sshrl.u32 s19, $0x3  }
0x7: {  	_ =	strace $0x80000047;
	s6 =	sadd.s32 s2, s18;
	s2 =	simm.s32 $0x3  }
0x8: {  	[tilespmem:s3], [sflag:$0x3] =	stream.linear.gather [hbm4b:s6+s3], $0x200, $0x38;
	[tilespmem:$0x10E00] =	vst v63  }
0x9: {  	_ =	swait.ge [sflag:s2], $0x200  }
0xa: {  	[sflag:s2] =	ssyncset.done $0x0  }
0xb: {  	s8 =	simm.s32 $0x200;
	s7 =	sadd.s32 s4, s18;
	[sflag:s2] =	ssyncadd.s32 $0xFFFFFE00  }
0xc: {  	[tilespmem:s8], [sflag:$0x3] =	stream.linear.gather [hbm4b:s7+s3], $0x200, $0x38;
	[tilespmem:$0x10E00] =	vst v63  }
0xd: {  	_ =	swait.ge [sflag:s2], $0x200  }
0xe: {  	[sflag:s2] =	ssyncset.done $0x0  }
0xf: {  	s9 =	sadd.s32 $0x3200, s15;
	s5 =	simm.s32 $0x400;
	[sflag:s2] =	ssyncadd.s32 $0xFFFFFE00  }
0x10: {  	[tilespmem:s5], [sflag:$0x1] =	stream.indirect.gather [hbm4b:s9+s8], $0x40, s3, s8, $0xb8;
	[tilespmem:$0x10E00] =	vst v63  }
0x11: {  	s10 =	sadd.s32 $0x1200, s15;
	s4 =	simm.s32 $0x8400  }
0x12: {  	[tilespmem:s4], [sflag:$0x2] =	stream.indirect.gather [hbm4b:s10+s8], $0x40, s8, s8, $0xb8;
	[tilespmem:$0x10E00] =	vst v63  }
0x13: {  	s11 =	simm.s32 $0x10400;
	s12 =	sadd.s32 $0x5400, s15  }
0x14: {  	[tilespmem:s11], [sflag:$0x3] =	stream.linear.gather [hbm4b:s12+s3], $0x400, $0x38;
	[tilespmem:$0x10E00] =	vst v63  }
0x15: {  	_ =	swait.ge [sflag:s2], $0x400  }
0x16: {  	[sflag:s2] =	ssyncset.done $0x0  }
0x17: {  	s13 =	simm.s32 $0x10800;
	s14 =	sadd.s32 $0x5200, s15;
	[sflag:s2] =	ssyncadd.s32 $0xFFFFFC00  }
0x18: {  	[tilespmem:s13], [sflag:$0x3] =	stream.linear.gather [hbm4b:s14+s3], $0x400, $0x38;
	[tilespmem:$0x10E00] =	vst v63  }
0x19: {  	_ =	swait.ge [sflag:s2], $0x400  }
0x1a: {  	[sflag:s2] =	ssyncset.done $0x0  }
0x1b: {  	[sflag:s2] =	ssyncadd.s32 $0xFFFFFC00  }
0x1c: {  	v0 =	vld [tilespmem:$0x0]  }
0x1d: {  	v1 =	vld [tilespmem:$0x200];
	_ =	sdelay $0x5  }
0x1e: {  	v2 =	vld [tilespmem:$0x10]  }
0x1f: {  	v0 =	vld.idx.msk [tilespmem:v0+s11+$0x0], $0xffff  }
0x20: {  	v1 =	vld.idx.msk [tilespmem:v1+s13+$0x0], $0xffff  }
0x21: {  	v3 =	vld [tilespmem:$0x210];
	_ =	sdelay $0x3  }
0x22: {  	v0 =	vadd.f32 v1, v0;
	_ =	sdelay $0x1  }
0x23: {  	[tilespmem:$0x10C00] =	vst v0  }
0x24: {  	v0 =	vld.idx.msk [tilespmem:v2+s11+$0x0], $0xffff  }
0x25: {  	v1 =	vld.idx.msk [tilespmem:v3+s13+$0x0], $0xffff  }
0x26: {  	v2 =	vld [tilespmem:$0x20]  }
0x27: {  	v3 =	vld [tilespmem:$0x220];
	_ =	sdelay $0x3  }
0x28: {  	v0 =	vadd.f32 v1, v0;
	_ =	sdelay $0x1  }
0x29: {  	[tilespmem:$0x10C10] =	vst v0  }
0x2a: {  	v0 =	vld.idx.msk [tilespmem:v2+s11+$0x0], $0xffff  }
0x2b: {  	v1 =	vld.idx.msk [tilespmem:v3+s13+$0x0], $0xffff  }
0x2c: {  	v2 =	vld [tilespmem:$0x30]  }
0x2d: {  	v3 =	vld [tilespmem:$0x230];
	_ =	sdelay $0x3  }
0x2e: {  	v0 =	vadd.f32 v1, v0;
	_ =	sdelay $0x1  }
0x2f: {  	[tilespmem:$0x10C20] =	vst v0  }
0x30: {  	v0 =	vld.idx.msk [tilespmem:v2+s11+$0x0], $0xffff  }
0x31: {  	v1 =	vld.idx.msk [tilespmem:v3+s13+$0x0], $0xffff  }
0x32: {  	v2 =	vld [tilespmem:$0x40]  }
0x33: {  	v3 =	vld [tilespmem:$0x240];
	_ =	sdelay $0x3  }
0x34: {  	v0 =	vadd.f32 v1, v0;
	_ =	sdelay $0x1  }
0x35: {  	[tilespmem:$0x10C30] =	vst v0  }
0x36: {  	v0 =	vld.idx.msk [tilespmem:v2+s11+$0x0], $0xffff  }
0x37: {  	v1 =	vld.idx.msk [tilespmem:v3+s13+$0x0], $0xffff  }
0x38: {  	v2 =	vld [tilespmem:$0x50]  }
0x39: {  	v3 =	vld [tilespmem:$0x250];
	_ =	sdelay $0x3  }
0x3a: {  	v0 =	vadd.f32 v1, v0;
	_ =	sdelay $0x1  }
0x3b: {  	[tilespmem:$0x10C40] =	vst v0  }
0x3c: {  	v0 =	vld.idx.msk [tilespmem:v2+s11+$0x0], $0xffff  }
0x3d: {  	v1 =	vld.idx.msk [tilespmem:v3+s13+$0x0], $0xffff  }
0x3e: {  	v2 =	vld [tilespmem:$0x60]  }
0x3f: {  	v3 =	vld [tilespmem:$0x260];
	_ =	sdelay $0x3  }
0x40: {  	v0 =	vadd.f32 v1, v0;
	_ =	sdelay $0x1  }
0x41: {  	[tilespmem:$0x10C50] =	vst v0  }
0x42: {  	v0 =	vld.idx.msk [tilespmem:v2+s11+$0x0], $0xffff  }
0x43: {  	v1 =	vld.idx.msk [tilespmem:v3+s13+$0x0], $0xffff  }
0x44: {  	v2 =	vld [tilespmem:$0x70]  }
0x45: {  	v3 =	vld [tilespmem:$0x270];
	_ =	sdelay $0x3  }
0x46: {  	v0 =	vadd.f32 v1, v0;
	_ =	sdelay $0x1  }
0x47: {  	[tilespmem:$0x10C60] =	vst v0  }
0x48: {  	v0 =	vld.idx.msk [tilespmem:v2+s11+$0x0], $0xffff  }
0x49: {  	v1 =	vld.idx.msk [tilespmem:v3+s13+$0x0], $0xffff  }
0x4a: {  	v2 =	vld [tilespmem:$0x80]  }
0x4b: {  	v3 =	vld [tilespmem:$0x280];
	_ =	sdelay $0x3  }
0x4c: {  	v0 =	vadd.f32 v1, v0;
	_ =	sdelay $0x1  }
0x4d: {  	[tilespmem:$0x10C70] =	vst v0  }
0x4e: {  	v0 =	vld.idx.msk [tilespmem:v2+s11+$0x0], $0xffff  }
0x4f: {  	v1 =	vld.idx.msk [tilespmem:v3+s13+$0x0], $0xffff  }
0x50: {  	v2 =	vld [tilespmem:$0x90]  }
0x51: {  	v3 =	vld [tilespmem:$0x290];
	_ =	sdelay $0x3  }
0x52: {  	v0 =	vadd.f32 v1, v0;
	_ =	sdelay $0x1  }
0x53: {  	[tilespmem:$0x10C80] =	vst v0  }
0x54: {  	v0 =	vld.idx.msk [tilespmem:v2+s11+$0x0], $0xffff  }
0x55: {  	v1 =	vld.idx.msk [tilespmem:v3+s13+$0x0], $0xffff  }
0x56: {  	v2 =	vld [tilespmem:$0xA0]  }
0x57: {  	v3 =	vld [tilespmem:$0x2A0];
	_ =	sdelay $0x3  }
0x58: {  	v0 =	vadd.f32 v1, v0;
	_ =	sdelay $0x1  }
0x59: {  	[tilespmem:$0x10C90] =	vst v0  }
0x5a: {  	v0 =	vld.idx.msk [tilespmem:v2+s11+$0x0], $0xffff  }
0x5b: {  	v1 =	vld.idx.msk [tilespmem:v3+s13+$0x0], $0xffff  }
0x5c: {  	v2 =	vld [tilespmem:$0xB0]  }
0x5d: {  	v3 =	vld [tilespmem:$0x2B0];
	_ =	sdelay $0x3  }
0x5e: {  	v0 =	vadd.f32 v1, v0;
	_ =	sdelay $0x1  }
0x5f: {  	[tilespmem:$0x10CA0] =	vst v0  }
0x60: {  	v0 =	vld.idx.msk [tilespmem:v2+s11+$0x0], $0xffff  }
0x61: {  	v1 =	vld.idx.msk [tilespmem:v3+s13+$0x0], $0xffff  }
0x62: {  	v2 =	vld [tilespmem:$0xC0]  }
0x63: {  	v3 =	vld [tilespmem:$0x2C0];
	_ =	sdelay $0x3  }
0x64: {  	v0 =	vadd.f32 v1, v0;
	_ =	sdelay $0x1  }
0x65: {  	[tilespmem:$0x10CB0] =	vst v0  }
0x66: {  	v0 =	vld.idx.msk [tilespmem:v2+s11+$0x0], $0xffff  }
0x67: {  	v1 =	vld.idx.msk [tilespmem:v3+s13+$0x0], $0xffff  }
0x68: {  	v2 =	vld [tilespmem:$0xD0]  }
0x69: {  	v3 =	vld [tilespmem:$0x2D0];
	_ =	sdelay $0x3  }
0x6a: {  	v0 =	vadd.f32 v1, v0;
	_ =	sdelay $0x1  }
0x6b: {  	[tilespmem:$0x10CC0] =	vst v0  }
0x6c: {  	v0 =	vld.idx.msk [tilespmem:v2+s11+$0x0], $0xffff  }
0x6d: {  	v1 =	vld.idx.msk [tilespmem:v3+s13+$0x0], $0xffff  }
0x6e: {  	v2 =	vld [tilespmem:$0xE0]  }
0x6f: {  	v3 =	vld [tilespmem:$0x2E0];
	_ =	sdelay $0x3  }
0x70: {  	v0 =	vadd.f32 v1, v0;
	_ =	sdelay $0x1  }
0x71: {  	[tilespmem:$0x10CD0] =	vst v0  }
0x72: {  	v0 =	vld.idx.msk [tilespmem:v2+s11+$0x0], $0xffff  }
0x73: {  	v1 =	vld.idx.msk [tilespmem:v3+s13+$0x0], $0xffff  }
0x74: {  	v2 =	vld [tilespmem:$0xF0]  }
0x75: {  	v3 =	vld [tilespmem:$0x2F0];
	_ =	sdelay $0x3  }
0x76: {  	v0 =	vadd.f32 v1, v0;
	_ =	sdelay $0x1  }
0x77: {  	[tilespmem:$0x10CE0] =	vst v0  }
0x78: {  	v0 =	vld.idx.msk [tilespmem:v2+s11+$0x0], $0xffff  }
0x79: {  	v1 =	vld.idx.msk [tilespmem:v3+s13+$0x0], $0xffff  }
0x7a: {  	v2 =	vld [tilespmem:$0x100]  }
0x7b: {  	v3 =	vld [tilespmem:$0x300];
	_ =	sdelay $0x3  }
0x7c: {  	v0 =	vadd.f32 v1, v0;
	_ =	sdelay $0x1  }
0x7d: {  	[tilespmem:$0x10CF0] =	vst v0  }
0x7e: {  	v0 =	vld.idx.msk [tilespmem:v2+s11+$0x0], $0xffff  }
0x7f: {  	v1 =	vld.idx.msk [tilespmem:v3+s13+$0x0], $0xffff  }
0x80: {  	v2 =	vld [tilespmem:$0x110]  }
0x81: {  	v3 =	vld [tilespmem:$0x310];
	_ =	sdelay $0x3  }
0x82: {  	v0 =	vadd.f32 v1, v0;
	_ =	sdelay $0x1  }
0x83: {  	[tilespmem:$0x10D00] =	vst v0  }
0x84: {  	v0 =	vld.idx.msk [tilespmem:v2+s11+$0x0], $0xffff  }
0x85: {  	v1 =	vld.idx.msk [tilespmem:v3+s13+$0x0], $0xffff  }
0x86: {  	v2 =	vld [tilespmem:$0x120]  }
0x87: {  	v3 =	vld [tilespmem:$0x320];
	_ =	sdelay $0x3  }
0x88: {  	v0 =	vadd.f32 v1, v0;
	_ =	sdelay $0x1  }
0x89: {  	[tilespmem:$0x10D10] =	vst v0  }
0x8a: {  	v0 =	vld.idx.msk [tilespmem:v2+s11+$0x0], $0xffff  }
0x8b: {  	v1 =	vld.idx.msk [tilespmem:v3+s13+$0x0], $0xffff  }
0x8c: {  	v2 =	vld [tilespmem:$0x130]  }
0x8d: {  	v3 =	vld [tilespmem:$0x330];
	_ =	sdelay $0x3  }
0x8e: {  	v0 =	vadd.f32 v1, v0;
	_ =	sdelay $0x1  }
0x8f: {  	[tilespmem:$0x10D20] =	vst v0  }
0x90: {  	v0 =	vld.idx.msk [tilespmem:v2+s11+$0x0], $0xffff  }
0x91: {  	v1 =	vld.idx.msk [tilespmem:v3+s13+$0x0], $0xffff  }
0x92: {  	v2 =	vld [tilespmem:$0x140]  }
0x93: {  	v3 =	vld [tilespmem:$0x340];
	_ =	sdelay $0x3  }
0x94: {  	v0 =	vadd.f32 v1, v0;
	_ =	sdelay $0x1  }
0x95: {  	[tilespmem:$0x10D30] =	vst v0  }
0x96: {  	v0 =	vld.idx.msk [tilespmem:v2+s11+$0x0], $0xffff  }
0x97: {  	v1 =	vld.idx.msk [tilespmem:v3+s13+$0x0], $0xffff  }
0x98: {  	v2 =	vld [tilespmem:$0x150]  }
0x99: {  	v3 =	vld [tilespmem:$0x350];
	_ =	sdelay $0x3  }
0x9a: {  	v0 =	vadd.f32 v1, v0;
	_ =	sdelay $0x1  }
0x9b: {  	[tilespmem:$0x10D40] =	vst v0  }
0x9c: {  	v0 =	vld.idx.msk [tilespmem:v2+s11+$0x0], $0xffff  }
0x9d: {  	v1 =	vld.idx.msk [tilespmem:v3+s13+$0x0], $0xffff  }
0x9e: {  	v2 =	vld [tilespmem:$0x160]  }
0x9f: {  	v3 =	vld [tilespmem:$0x360];
	_ =	sdelay $0x3  }
0xa0: {  	v0 =	vadd.f32 v1, v0;
	_ =	sdelay $0x1  }
0xa1: {  	[tilespmem:$0x10D50] =	vst v0  }
0xa2: {  	v0 =	vld.idx.msk [tilespmem:v2+s11+$0x0], $0xffff  }
0xa3: {  	v1 =	vld.idx.msk [tilespmem:v3+s13+$0x0], $0xffff  }
0xa4: {  	v2 =	vld [tilespmem:$0x170]  }
0xa5: {  	v3 =	vld [tilespmem:$0x370];
	_ =	sdelay $0x3  }
0xa6: {  	v0 =	vadd.f32 v1, v0;
	_ =	sdelay $0x1  }
0xa7: {  	[tilespmem:$0x10D60] =	vst v0  }
0xa8: {  	v0 =	vld.idx.msk [tilespmem:v2+s11+$0x0], $0xffff  }
0xa9: {  	v1 =	vld.idx.msk [tilespmem:v3+s13+$0x0], $0xffff  }
0xaa: {  	v2 =	vld [tilespmem:$0x180]  }
0xab: {  	v3 =	vld [tilespmem:$0x380];
	_ =	sdelay $0x3  }
0xac: {  	v0 =	vadd.f32 v1, v0;
	_ =	sdelay $0x1  }
0xad: {  	[tilespmem:$0x10D70] =	vst v0  }
0xae: {  	v0 =	vld.idx.msk [tilespmem:v2+s11+$0x0], $0xffff  }
0xaf: {  	v1 =	vld.idx.msk [tilespmem:v3+s13+$0x0], $0xffff  }
0xb0: {  	v2 =	vld [tilespmem:$0x190]  }
0xb1: {  	v3 =	vld [tilespmem:$0x390];
	_ =	sdelay $0x3  }
0xb2: {  	v0 =	vadd.f32 v1, v0;
	_ =	sdelay $0x1  }
0xb3: {  	[tilespmem:$0x10D80] =	vst v0  }
0xb4: {  	v0 =	vld.idx.msk [tilespmem:v2+s11+$0x0], $0xffff  }
0xb5: {  	v1 =	vld.idx.msk [tilespmem:v3+s13+$0x0], $0xffff  }
0xb6: {  	v2 =	vld [tilespmem:$0x1A0]  }
0xb7: {  	v3 =	vld [tilespmem:$0x3A0];
	_ =	sdelay $0x3  }
0xb8: {  	v0 =	vadd.f32 v1, v0;
	_ =	sdelay $0x1  }
0xb9: {  	[tilespmem:$0x10D90] =	vst v0  }
0xba: {  	v0 =	vld.idx.msk [tilespmem:v2+s11+$0x0], $0xffff  }
0xbb: {  	v1 =	vld.idx.msk [tilespmem:v3+s13+$0x0], $0xffff  }
0xbc: {  	v2 =	vld [tilespmem:$0x1B0]  }
0xbd: {  	v3 =	vld [tilespmem:$0x3B0];
	_ =	sdelay $0x3  }
0xbe: {  	v0 =	vadd.f32 v1, v0;
	_ =	sdelay $0x1  }
0xbf: {  	[tilespmem:$0x10DA0] =	vst v0  }
0xc0: {  	v0 =	vld.idx.msk [tilespmem:v2+s11+$0x0], $0xffff  }
0xc1: {  	v1 =	vld.idx.msk [tilespmem:v3+s13+$0x0], $0xffff  }
0xc2: {  	v2 =	vld [tilespmem:$0x1C0]  }
0xc3: {  	v3 =	vld [tilespmem:$0x3C0];
	_ =	sdelay $0x3  }
0xc4: {  	v0 =	vadd.f32 v1, v0;
	_ =	sdelay $0x1  }
0xc5: {  	[tilespmem:$0x10DB0] =	vst v0  }
0xc6: {  	v0 =	vld.idx.msk [tilespmem:v2+s11+$0x0], $0xffff  }
0xc7: {  	v1 =	vld.idx.msk [tilespmem:v3+s13+$0x0], $0xffff  }
0xc8: {  	v2 =	vld [tilespmem:$0x1D0]  }
0xc9: {  	v3 =	vld [tilespmem:$0x3D0];
	_ =	sdelay $0x3  }
0xca: {  	v0 =	vadd.f32 v1, v0;
	_ =	sdelay $0x1  }
0xcb: {  	[tilespmem:$0x10DC0] =	vst v0  }
0xcc: {  	v0 =	vld.idx.msk [tilespmem:v2+s11+$0x0], $0xffff  }
0xcd: {  	v1 =	vld.idx.msk [tilespmem:v3+s13+$0x0], $0xffff  }
0xce: {  	v2 =	vld [tilespmem:$0x1E0]  }
0xcf: {  	s17 =	ssub.s32 $0x2, s17;
	v3 =	vld [tilespmem:$0x3E0]  }
0xd0: {  	s31 =	sshrl.u32 s17, $0x1  }
0xd1: {  	s17 =	ssub.s32 s17, s31  }
0xd2: {  	s23 =	smax.u32 s17, $0x1  }
0xd3: {  	p0 =	sne.s32 s23, $0x1;
	v0 =	vadd.f32 v1, v0  }
.Ltmp0:
0xd4: {  	_ = 	snop;
	(pc) =	sbr.rel @!p0 .LBB2_2-.Ltmp0, $4  }
0xd5: {  	s22 =	simm.s32 $0x10C00;
	s19 =	sshll.u32 s19, $0x4;
	[tilespmem:$0x10DD0] =	vst v0;
	v0 =	vld [tilespmem:$0x3F0]  }
0xd6: {  	s21 =	simm.s32 $0x1;
	s20 =	simm.s32 $0x2;
	s15 =	sadd.s32 s19, s15;
	v1 =	vld.idx.msk [tilespmem:v2+s11+$0x0], $0xffff  }
0xd7: {  	s19 =	sadd.s32 s16, s18;
	s17 =	simm.s32 $0x40;
	s18 =	simm.s32 $0x80;
	v3 =	vld.idx.msk [tilespmem:v3+s13+$0x0], $0xffff  }
0xd8: {  	s16 =	sadd.s32 $0x5600, s15;
	s15 =	sadd.s32 $0x5608, s15;
	s23 =	sadd.s32 $0xFFFFFFFF, s23;
	v2 =	vld [tilespmem:$0x1F0]  }
.LBB2_1:
0xd9: {  	_ =	sdelay $0x1  }
0xda: {  	p0 =	sne.s32 s23, $0x1;
	s23 =	sadd.s32 $0xFFFFFFFF, s23;
	_ =	sdelay $0x1  }
0xdb: {  	v1 =	vadd.f32 v3, v1;
	_ =	sdelay $0x1  }
0xdc: {  	[tilespmem:$0x10DE0] =	vst v1  }
0xdd: {  	v1 =	vld.idx.msk [tilespmem:v2+s11+$0x0], $0xffff  }
0xde: {  	v0 =	vld.idx.msk [tilespmem:v0+s13+$0x0], $0xffff;
	_ =	sdelay $0x5  }
0xdf: {  	v0 =	vadd.f32 v0, v1;
	_ =	sdelay $0x1  }
0xe0: {  	[tilespmem:$0x10DF0] =	vst v0  }
0xe1: {  	[hbm4b:s19+s3] =	stream.linear.scatter [tilespmem:s22], [sflag:$0x3], $0x200, $0x38;
	[tilespmem:$0x10E00] =	vst v63  }
0xe2: {  	_ =	swait.ge [sflag:s2], $0x200  }
0xe3: {  	[sflag:s2] =	ssyncset.done $0x0  }
0xe4: {  	[sflag:s2] =	ssyncadd.s32 $0xFFFFFE00  }
0xe5: {  	_ =	swait.ge [sflag:s21], $0x8000  }
0xe6: {  	[sflag:s21] =	ssyncset.done $0x0  }
0xe7: {  	[sflag:s21] =	ssyncadd.s32 $0xFFFF8000  }
0xe8: {  	[hbm4b:s16+s17] =	stream.strided.scatter [tilespmem:s5], [sflag:$0x3], $0x8000, s18, s17, $0x38;
	[tilespmem:$0x10E00] =	vst v63  }
0xe9: {  	_ =	swait.ge [sflag:s2], $0x8000  }
0xea: {  	[sflag:s2] =	ssyncset.done $0x0  }
0xeb: {  	[sflag:s2] =	ssyncadd.s32 $0xFFFF8000  }
0xec: {  	_ =	swait.ge [sflag:s20], $0x8000  }
0xed: {  	[sflag:s20] =	ssyncset.done $0x0  }
0xee: {  	[sflag:s20] =	ssyncadd.s32 $0xFFFF8000  }
0xef: {  	[hbm4b:s15+s17] =	stream.strided.scatter [tilespmem:s4], [sflag:$0x3], $0x8000, s18, s17, $0x38;
	[tilespmem:$0x10E00] =	vst v63  }
0xf0: {  	_ =	swait.ge [sflag:s2], $0x8000  }
0xf1: {  	[sflag:s2] =	ssyncset.done $0x0  }
0xf2: {  	[sflag:s2] =	ssyncadd.s32 $0xFFFF8000  }
0xf3: {  	[tilespmem:s3], [sflag:$0x3] =	stream.linear.gather [hbm4b:s6+s3], $0x200, $0x38;
	[tilespmem:$0x10E00] =	vst v63  }
0xf4: {  	_ =	swait.ge [sflag:s2], $0x200  }
0xf5: {  	[sflag:s2] =	ssyncset.done $0x0  }
0xf6: {  	[sflag:s2] =	ssyncadd.s32 $0xFFFFFE00  }
0xf7: {  	[tilespmem:s8], [sflag:$0x3] =	stream.linear.gather [hbm4b:s7+s3], $0x200, $0x38;
	[tilespmem:$0x10E00] =	vst v63  }
0xf8: {  	_ =	swait.ge [sflag:s2], $0x200  }
0xf9: {  	[sflag:s2] =	ssyncset.done $0x0  }
0xfa: {  	[sflag:s2] =	ssyncadd.s32 $0xFFFFFE00  }
0xfb: {  	[tilespmem:s5], [sflag:$0x1] =	stream.indirect.gather [hbm4b:s9+s8], $0x40, s3, s8, $0xb8;
	[tilespmem:$0x10E00] =	vst v63  }
0xfc: {  	_ = 	snop  }
0xfd: {  	[tilespmem:s4], [sflag:$0x2] =	stream.indirect.gather [hbm4b:s10+s8], $0x40, s8, s8, $0xb8;
	[tilespmem:$0x10E00] =	vst v63  }
0xfe: {  	_ = 	snop  }
0xff: {  	[tilespmem:s11], [sflag:$0x3] =	stream.linear.gather [hbm4b:s12+s3], $0x400, $0x38;
	[tilespmem:$0x10E00] =	vst v63  }
0x100: {  	_ =	swait.ge [sflag:s2], $0x400  }
0x101: {  	[sflag:s2] =	ssyncset.done $0x0  }
0x102: {  	[sflag:s2] =	ssyncadd.s32 $0xFFFFFC00  }
0x103: {  	[tilespmem:s13], [sflag:$0x3] =	stream.linear.gather [hbm4b:s14+s3], $0x400, $0x38;
	[tilespmem:$0x10E00] =	vst v63  }
0x104: {  	_ =	swait.ge [sflag:s2], $0x400  }
0x105: {  	[sflag:s2] =	ssyncset.done $0x0  }
0x106: {  	[sflag:s2] =	ssyncadd.s32 $0xFFFFFC00  }
0x107: {  	v0 =	vld [tilespmem:$0x0]  }
0x108: {  	v1 =	vld [tilespmem:$0x200];
	_ =	sdelay $0x5  }
0x109: {  	v2 =	vld [tilespmem:$0x210]  }
0x10a: {  	v0 =	vld.idx.msk [tilespmem:v0+s11+$0x0], $0xffff  }
0x10b: {  	v1 =	vld.idx.msk [tilespmem:v1+s13+$0x0], $0xffff  }
0x10c: {  	v3 =	vld [tilespmem:$0x10];
	_ =	sdelay $0x4  }
0x10d: {  	v0 =	vadd.f32 v1, v0;
	_ =	sdelay $0x1  }
0x10e: {  	[tilespmem:$0x10C00] =	vst v0;
	v0 =	vld [tilespmem:$0x220]  }
0x10f: {  	v1 =	vld.idx.msk [tilespmem:v3+s11+$0x0], $0xffff  }
0x110: {  	v2 =	vld.idx.msk [tilespmem:v2+s13+$0x0], $0xffff  }
0x111: {  	v3 =	vld [tilespmem:$0x20];
	_ =	sdelay $0x4  }
0x112: {  	v1 =	vadd.f32 v2, v1;
	_ =	sdelay $0x1  }
0x113: {  	[tilespmem:$0x10C10] =	vst v1;
	v1 =	vld [tilespmem:$0x230]  }
0x114: {  	v2 =	vld.idx.msk [tilespmem:v3+s11+$0x0], $0xffff  }
0x115: {  	v0 =	vld.idx.msk [tilespmem:v0+s13+$0x0], $0xffff  }
0x116: {  	v3 =	vld [tilespmem:$0x30];
	_ =	sdelay $0x4  }
0x117: {  	v0 =	vadd.f32 v0, v2;
	_ =	sdelay $0x1  }
0x118: {  	[tilespmem:$0x10C20] =	vst v0;
	v0 =	vld [tilespmem:$0x240]  }
0x119: {  	v2 =	vld.idx.msk [tilespmem:v3+s11+$0x0], $0xffff  }
0x11a: {  	v1 =	vld.idx.msk [tilespmem:v1+s13+$0x0], $0xffff  }
0x11b: {  	v3 =	vld [tilespmem:$0x40];
	_ =	sdelay $0x4  }
0x11c: {  	v1 =	vadd.f32 v1, v2;
	_ =	sdelay $0x1  }
0x11d: {  	[tilespmem:$0x10C30] =	vst v1;
	v1 =	vld [tilespmem:$0x250]  }
0x11e: {  	v2 =	vld.idx.msk [tilespmem:v3+s11+$0x0], $0xffff  }
0x11f: {  	v0 =	vld.idx.msk [tilespmem:v0+s13+$0x0], $0xffff  }
0x120: {  	v3 =	vld [tilespmem:$0x50];
	_ =	sdelay $0x4  }
0x121: {  	v0 =	vadd.f32 v0, v2;
	_ =	sdelay $0x1  }
0x122: {  	[tilespmem:$0x10C40] =	vst v0;
	v0 =	vld [tilespmem:$0x260]  }
0x123: {  	v2 =	vld.idx.msk [tilespmem:v3+s11+$0x0], $0xffff  }
0x124: {  	v1 =	vld.idx.msk [tilespmem:v1+s13+$0x0], $0xffff  }
0x125: {  	v3 =	vld [tilespmem:$0x60];
	_ =	sdelay $0x4  }
0x126: {  	v1 =	vadd.f32 v1, v2;
	_ =	sdelay $0x1  }
0x127: {  	[tilespmem:$0x10C50] =	vst v1;
	v1 =	vld [tilespmem:$0x270]  }
0x128: {  	v2 =	vld.idx.msk [tilespmem:v3+s11+$0x0], $0xffff  }
0x129: {  	v0 =	vld.idx.msk [tilespmem:v0+s13+$0x0], $0xffff  }
0x12a: {  	v3 =	vld [tilespmem:$0x70];
	_ =	sdelay $0x4  }
0x12b: {  	v0 =	vadd.f32 v0, v2;
	_ =	sdelay $0x1  }
0x12c: {  	[tilespmem:$0x10C60] =	vst v0;
	v0 =	vld [tilespmem:$0x280]  }
0x12d: {  	v2 =	vld.idx.msk [tilespmem:v3+s11+$0x0], $0xffff  }
0x12e: {  	v1 =	vld.idx.msk [tilespmem:v1+s13+$0x0], $0xffff  }
0x12f: {  	v3 =	vld [tilespmem:$0x80];
	_ =	sdelay $0x4  }
0x130: {  	v1 =	vadd.f32 v1, v2;
	_ =	sdelay $0x1  }
0x131: {  	[tilespmem:$0x10C70] =	vst v1;
	v1 =	vld [tilespmem:$0x290]  }
0x132: {  	v2 =	vld.idx.msk [tilespmem:v3+s11+$0x0], $0xffff  }
0x133: {  	v0 =	vld.idx.msk [tilespmem:v0+s13+$0x0], $0xffff  }
0x134: {  	v3 =	vld [tilespmem:$0x90];
	_ =	sdelay $0x4  }
0x135: {  	v0 =	vadd.f32 v0, v2;
	_ =	sdelay $0x1  }
0x136: {  	[tilespmem:$0x10C80] =	vst v0;
	v0 =	vld [tilespmem:$0x2A0]  }
0x137: {  	v2 =	vld.idx.msk [tilespmem:v3+s11+$0x0], $0xffff  }
0x138: {  	v1 =	vld.idx.msk [tilespmem:v1+s13+$0x0], $0xffff  }
0x139: {  	v3 =	vld [tilespmem:$0xA0];
	_ =	sdelay $0x4  }
0x13a: {  	v1 =	vadd.f32 v1, v2;
	_ =	sdelay $0x1  }
0x13b: {  	[tilespmem:$0x10C90] =	vst v1;
	v1 =	vld [tilespmem:$0x2B0]  }
0x13c: {  	v2 =	vld.idx.msk [tilespmem:v3+s11+$0x0], $0xffff  }
0x13d: {  	v0 =	vld.idx.msk [tilespmem:v0+s13+$0x0], $0xffff  }
0x13e: {  	v3 =	vld [tilespmem:$0xB0];
	_ =	sdelay $0x4  }
0x13f: {  	v0 =	vadd.f32 v0, v2;
	_ =	sdelay $0x1  }
0x140: {  	[tilespmem:$0x10CA0] =	vst v0;
	v0 =	vld [tilespmem:$0x2C0]  }
0x141: {  	v2 =	vld.idx.msk [tilespmem:v3+s11+$0x0], $0xffff  }
0x142: {  	v1 =	vld.idx.msk [tilespmem:v1+s13+$0x0], $0xffff  }
0x143: {  	v3 =	vld [tilespmem:$0xC0];
	_ =	sdelay $0x4  }
0x144: {  	v1 =	vadd.f32 v1, v2;
	_ =	sdelay $0x1  }
0x145: {  	[tilespmem:$0x10CB0] =	vst v1;
	v1 =	vld [tilespmem:$0x2D0]  }
0x146: {  	v2 =	vld.idx.msk [tilespmem:v3+s11+$0x0], $0xffff  }
0x147: {  	v0 =	vld.idx.msk [tilespmem:v0+s13+$0x0], $0xffff  }
0x148: {  	v3 =	vld [tilespmem:$0xD0];
	_ =	sdelay $0x4  }
0x149: {  	v0 =	vadd.f32 v0, v2;
	_ =	sdelay $0x1  }
0x14a: {  	[tilespmem:$0x10CC0] =	vst v0;
	v0 =	vld [tilespmem:$0x2E0]  }
0x14b: {  	v2 =	vld.idx.msk [tilespmem:v3+s11+$0x0], $0xffff  }
0x14c: {  	v1 =	vld.idx.msk [tilespmem:v1+s13+$0x0], $0xffff  }
0x14d: {  	v3 =	vld [tilespmem:$0xE0];
	_ =	sdelay $0x4  }
0x14e: {  	v1 =	vadd.f32 v1, v2;
	_ =	sdelay $0x1  }
0x14f: {  	[tilespmem:$0x10CD0] =	vst v1;
	v1 =	vld [tilespmem:$0x2F0]  }
0x150: {  	v2 =	vld.idx.msk [tilespmem:v3+s11+$0x0], $0xffff  }
0x151: {  	v0 =	vld.idx.msk [tilespmem:v0+s13+$0x0], $0xffff  }
0x152: {  	v3 =	vld [tilespmem:$0xF0];
	_ =	sdelay $0x4  }
0x153: {  	v0 =	vadd.f32 v0, v2;
	_ =	sdelay $0x1  }
0x154: {  	[tilespmem:$0x10CE0] =	vst v0;
	v0 =	vld [tilespmem:$0x300]  }
0x155: {  	v2 =	vld.idx.msk [tilespmem:v3+s11+$0x0], $0xffff  }
0x156: {  	v1 =	vld.idx.msk [tilespmem:v1+s13+$0x0], $0xffff  }
0x157: {  	v3 =	vld [tilespmem:$0x100];
	_ =	sdelay $0x4  }
0x158: {  	v1 =	vadd.f32 v1, v2;
	_ =	sdelay $0x1  }
0x159: {  	[tilespmem:$0x10CF0] =	vst v1;
	v1 =	vld [tilespmem:$0x310]  }
0x15a: {  	v2 =	vld.idx.msk [tilespmem:v3+s11+$0x0], $0xffff  }
0x15b: {  	v0 =	vld.idx.msk [tilespmem:v0+s13+$0x0], $0xffff  }
0x15c: {  	v3 =	vld [tilespmem:$0x110];
	_ =	sdelay $0x4  }
0x15d: {  	v0 =	vadd.f32 v0, v2;
	_ =	sdelay $0x1  }
0x15e: {  	[tilespmem:$0x10D00] =	vst v0;
	v0 =	vld [tilespmem:$0x320]  }
0x15f: {  	v2 =	vld.idx.msk [tilespmem:v3+s11+$0x0], $0xffff  }
0x160: {  	v1 =	vld.idx.msk [tilespmem:v1+s13+$0x0], $0xffff  }
0x161: {  	v3 =	vld [tilespmem:$0x120];
	_ =	sdelay $0x4  }
0x162: {  	v1 =	vadd.f32 v1, v2;
	_ =	sdelay $0x1  }
0x163: {  	[tilespmem:$0x10D10] =	vst v1;
	v1 =	vld [tilespmem:$0x330]  }
0x164: {  	v2 =	vld.idx.msk [tilespmem:v3+s11+$0x0], $0xffff  }
0x165: {  	v0 =	vld.idx.msk [tilespmem:v0+s13+$0x0], $0xffff  }
0x166: {  	v3 =	vld [tilespmem:$0x130];
	_ =	sdelay $0x4  }
0x167: {  	v0 =	vadd.f32 v0, v2;
	_ =	sdelay $0x1  }
0x168: {  	[tilespmem:$0x10D20] =	vst v0;
	v0 =	vld [tilespmem:$0x340]  }
0x169: {  	v2 =	vld.idx.msk [tilespmem:v3+s11+$0x0], $0xffff  }
0x16a: {  	v1 =	vld.idx.msk [tilespmem:v1+s13+$0x0], $0xffff  }
0x16b: {  	v3 =	vld [tilespmem:$0x140];
	_ =	sdelay $0x4  }
0x16c: {  	v1 =	vadd.f32 v1, v2;
	_ =	sdelay $0x1  }
0x16d: {  	[tilespmem:$0x10D30] =	vst v1;
	v1 =	vld [tilespmem:$0x350]  }
0x16e: {  	v2 =	vld.idx.msk [tilespmem:v3+s11+$0x0], $0xffff  }
0x16f: {  	v0 =	vld.idx.msk [tilespmem:v0+s13+$0x0], $0xffff  }
0x170: {  	v3 =	vld [tilespmem:$0x150];
	_ =	sdelay $0x4  }
0x171: {  	v0 =	vadd.f32 v0, v2;
	_ =	sdelay $0x1  }
0x172: {  	[tilespmem:$0x10D40] =	vst v0;
	v0 =	vld [tilespmem:$0x360]  }
0x173: {  	v2 =	vld.idx.msk [tilespmem:v3+s11+$0x0], $0xffff  }
0x174: {  	v1 =	vld.idx.msk [tilespmem:v1+s13+$0x0], $0xffff  }
0x175: {  	v3 =	vld [tilespmem:$0x160];
	_ =	sdelay $0x4  }
0x176: {  	v1 =	vadd.f32 v1, v2;
	_ =	sdelay $0x1  }
0x177: {  	[tilespmem:$0x10D50] =	vst v1;
	v1 =	vld [tilespmem:$0x370]  }
0x178: {  	v2 =	vld.idx.msk [tilespmem:v3+s11+$0x0], $0xffff  }
0x179: {  	v0 =	vld.idx.msk [tilespmem:v0+s13+$0x0], $0xffff  }
0x17a: {  	v3 =	vld [tilespmem:$0x170];
	_ =	sdelay $0x4  }
0x17b: {  	v0 =	vadd.f32 v0, v2;
	_ =	sdelay $0x1  }
0x17c: {  	[tilespmem:$0x10D60] =	vst v0;
	v0 =	vld [tilespmem:$0x380]  }
0x17d: {  	v2 =	vld.idx.msk [tilespmem:v3+s11+$0x0], $0xffff  }
0x17e: {  	v1 =	vld.idx.msk [tilespmem:v1+s13+$0x0], $0xffff  }
0x17f: {  	v3 =	vld [tilespmem:$0x180];
	_ =	sdelay $0x4  }
0x180: {  	v1 =	vadd.f32 v1, v2;
	_ =	sdelay $0x1  }
0x181: {  	[tilespmem:$0x10D70] =	vst v1;
	v1 =	vld [tilespmem:$0x390]  }
0x182: {  	v2 =	vld.idx.msk [tilespmem:v3+s11+$0x0], $0xffff  }
0x183: {  	v0 =	vld.idx.msk [tilespmem:v0+s13+$0x0], $0xffff  }
0x184: {  	v3 =	vld [tilespmem:$0x190];
	_ =	sdelay $0x4  }
0x185: {  	v0 =	vadd.f32 v0, v2;
	_ =	sdelay $0x1  }
0x186: {  	[tilespmem:$0x10D80] =	vst v0;
	v0 =	vld [tilespmem:$0x3A0]  }
0x187: {  	v2 =	vld.idx.msk [tilespmem:v3+s11+$0x0], $0xffff  }
0x188: {  	v1 =	vld.idx.msk [tilespmem:v1+s13+$0x0], $0xffff  }
0x189: {  	v3 =	vld [tilespmem:$0x1A0];
	_ =	sdelay $0x4  }
0x18a: {  	v1 =	vadd.f32 v1, v2;
	_ =	sdelay $0x1  }
0x18b: {  	[tilespmem:$0x10D90] =	vst v1;
	v1 =	vld [tilespmem:$0x3B0]  }
0x18c: {  	v2 =	vld.idx.msk [tilespmem:v3+s11+$0x0], $0xffff  }
0x18d: {  	v0 =	vld.idx.msk [tilespmem:v0+s13+$0x0], $0xffff  }
0x18e: {  	v3 =	vld [tilespmem:$0x1B0];
	_ =	sdelay $0x4  }
0x18f: {  	v0 =	vadd.f32 v0, v2;
	_ =	sdelay $0x1  }
0x190: {  	[tilespmem:$0x10DA0] =	vst v0;
	v0 =	vld [tilespmem:$0x3C0]  }
0x191: {  	v2 =	vld.idx.msk [tilespmem:v3+s11+$0x0], $0xffff  }
0x192: {  	v1 =	vld.idx.msk [tilespmem:v1+s13+$0x0], $0xffff  }
0x193: {  	v3 =	vld [tilespmem:$0x1C0];
	_ =	sdelay $0x4  }
0x194: {  	v1 =	vadd.f32 v1, v2;
	_ =	sdelay $0x1  }
0x195: {  	[tilespmem:$0x10DB0] =	vst v1;
	v1 =	vld [tilespmem:$0x3D0]  }
0x196: {  	v2 =	vld.idx.msk [tilespmem:v3+s11+$0x0], $0xffff  }
0x197: {  	v0 =	vld.idx.msk [tilespmem:v0+s13+$0x0], $0xffff  }
0x198: {  	v3 =	vld [tilespmem:$0x1D0];
	_ =	sdelay $0x4  }
0x199: {  	v0 =	vadd.f32 v0, v2;
	_ =	sdelay $0x1  }
0x19a: {  	[tilespmem:$0x10DC0] =	vst v0;
	v2 =	vld [tilespmem:$0x3E0]  }
0x19b: {  	v0 =	vld.idx.msk [tilespmem:v3+s11+$0x0], $0xffff  }
0x19c: {  	v1 =	vld.idx.msk [tilespmem:v1+s13+$0x0], $0xffff  }
0x19d: {  	v3 =	vld [tilespmem:$0x1E0];
	_ =	sdelay $0x4  }
0x19e: {  	v0 =	vadd.f32 v1, v0  }
.Ltmp1:
0x19f: {  	(pc) =	sbr.rel @p0 .LBB2_1-.Ltmp1, $4  }
0x1a0: {  	[tilespmem:$0x10DD0] =	vst v0;
	v0 =	vld [tilespmem:$0x3F0]  }
0x1a1: {  	v1 =	vld.idx.msk [tilespmem:v3+s11+$0x0], $0xffff  }
0x1a2: {  	v3 =	vld.idx.msk [tilespmem:v2+s13+$0x0], $0xffff  }
0x1a3: {  	v2 =	vld [tilespmem:$0x1F0]  }
.LBB2_2:
0x1a4: {  	_ =	sdelay $0x4  }
0x1a5: {  	v1 =	vadd.f32 v3, v1;
	_ =	sdelay $0x1  }
0x1a6: {  	[tilespmem:$0x10DE0] =	vst v1  }
0x1a7: {  	v1 =	vld.idx.msk [tilespmem:v2+s11+$0x0], $0xffff  }
0x1a8: {  	v0 =	vld.idx.msk [tilespmem:v0+s13+$0x0], $0xffff;
	_ =	sdelay $0x4  }
0x1a9: {  	v0 =	vadd.f32 v0, v1;
	_ =	sdelay $0x1  }
0x1aa: {  	[tilespmem:$0x10DF0] =	vst v0  }
0x1ab: {  	[hbm4b:s19+s3] =	stream.linear.scatter [tilespmem:s22], [sflag:$0x3], $0x200, $0x38;
	[tilespmem:$0x10E00] =	vst v63  }
0x1ac: {  	_ =	swait.ge [sflag:s2], $0x200  }
0x1ad: {  	[sflag:s2] =	ssyncset.done $0x0  }
0x1ae: {  	[sflag:s2] =	ssyncadd.s32 $0xFFFFFE00  }
0x1af: {  	_ =	swait.ge [sflag:s21], $0x8000  }
0x1b0: {  	[sflag:s21] =	ssyncset.done $0x0  }
0x1b1: {  	[sflag:s21] =	ssyncadd.s32 $0xFFFF8000  }
0x1b2: {  	[hbm4b:s16+s17] =	stream.strided.scatter [tilespmem:s5], [sflag:$0x3], $0x8000, s18, s17, $0x38;
	[tilespmem:$0x10E00] =	vst v63  }
0x1b3: {  	_ =	swait.ge [sflag:s2], $0x8000  }
0x1b4: {  	[sflag:s2] =	ssyncset.done $0x0  }
0x1b5: {  	[sflag:s2] =	ssyncadd.s32 $0xFFFF8000  }
0x1b6: {  	_ =	swait.ge [sflag:s20], $0x8000  }
0x1b7: {  	[sflag:s20] =	ssyncset.done $0x0  }
0x1b8: {  	[sflag:s20] =	ssyncadd.s32 $0xFFFF8000  }
0x1b9: {  	[hbm4b:s15+s17] =	stream.strided.scatter [tilespmem:s4], [sflag:$0x3], $0x8000, s18, s17, $0x38;
	[tilespmem:$0x10E00] =	vst v63  }
0x1ba: {  	_ =	swait.ge [sflag:s2], $0x8000  }
0x1bb: {  	[sflag:s2] =	ssyncset.done $0x0  }
0x1bc: {  	[sflag:s2] =	ssyncadd.s32 $0xFFFF8000  }
0x1bd: {  	_ =	sfence.sel $0x180000  }
0x1be: {  	[bflag:$0x0] =	sbarrier.arrive $0xFFFF  }
0x1bf: {  	p0 =	sne.s32 s0, $0x0;
	_ =	strace $0x90000047  }
0x1c0: {  	s0 =	sadd.s32 @!p0 $0x100000, s1;
	[bflag:$0x2] =	sbarrier.arrive $0xFFFF  }
0x1c1: {  	[sflag:s0] =	ssyncadd.tile.s32 @!p0 $0x1;
	_ =	shalt  }
.Lfunc_end2:
_tile_overlayer_lowered:
.L_overlay_start_2:
0x1c2: {  	(tag) =	ssettag $0x2  }
0x1c3: {  	s0 =	rddreg [dreg:$0x0];
	s2 =	stileid.u32  }
0x1c4: {  	s1 =	rddreg [dreg:$0x1];
	p0 =	sne.s32 s2, $0x0  }
0x1c5: {  	s3 =	rddreg [dreg:$0x2];
	[bflag:$0x3] =	sbarrier.arrive $0xFFFF;
	s2 =	simm.s32 @!p0 $0x1C03  }
0x1c6: {  	[timem:s3], [sflag:s2] =	dma.local @!p0 [hbm:s0], s1  }
0x1c7: {  	s0 =	simm.s32 @!p0 $0x3  }
0x1c8: {  	_ =	swait.ge @!p0 [sflag:s0], s1  }
0x1c9: {  	s1 =	ssub.s32 @!p0 $0x0, s1;
	[sflag:s0] =	ssyncset.done @!p0 $0x0  }
0x1ca: {  	[sflag:s0] =	ssyncadd.s32 @!p0 s1  }
0x1cb: {  	[bflag:$0x3] =	sbarrier.arrive $0xFFFF  }
0x1cc: {  	_ =	shalt  }

</sc_bundles>
